<compile_context>
chip_gen: v7x
topology: tpu7x:2x2x1
jax: 0.10.2.dev20260603
libtpu: 0.0.44.dev20260713+nightly
codegen_flags: <defaults>
</compile_context>

<pallas_src>
import functools

import jax
import jax.numpy as jnp
from jax import lax
from jax.experimental import pallas as pl
from jax.experimental.pallas import tpu as pltpu
from jax.experimental.pallas import tpu_sc as plsc

_EMBED = 512
_NC = 2
_NS = 16
_NW = _NC * _NS
_NBUF = 2
_NB = 2
_SEQP = 56
_CROWS = _NB * _SEQP


@functools.cache
def _build(n_batch: int, seq: int):
    bat_per_w = n_batch // _NW
    n_chunks = bat_per_w // _NB
    n_groups = n_chunks // _NBUF
    assert bat_per_w * _NW == n_batch
    assert n_groups * _NBUF * _NB == bat_per_w

    mesh = plsc.VectorSubcoreMesh(
        core_axis_name="c", subcore_axis_name="s", num_cores=_NC, num_subcores=_NS
    )

    @functools.partial(
        pl.kernel,
        mesh=mesh,
        out_type=jax.ShapeDtypeStruct((n_batch, seq, _EMBED), jnp.float32),
        scratch_types=[
            pltpu.VMEM((bat_per_w * _SEQP,), jnp.int32),
            pltpu.VMEM((_NBUF, _CROWS, _EMBED), jnp.float32),
            pltpu.SemaphoreType.DMA,
            pltpu.SemaphoreType.DMA,
        ],
        compiler_params=pltpu.CompilerParams(disable_bounds_checks=True),
    )
    def gather_kernel(idx_hbm, table_hbm, out_hbm, idx_v, rows_v, s0, s1):
        sems = [s0, s1]
        wid = lax.axis_index("s") * _NC + lax.axis_index("c")
        bat_base = wid * bat_per_w

        pltpu.sync_copy(
            idx_hbm.at[pl.ds(bat_base * _SEQP, bat_per_w * _SEQP)], idx_v
        )

        def start_gather(g, b):
            pltpu.async_copy(
                table_hbm.at[idx_v.at[pl.ds(g * _CROWS, _CROWS)]],
                rows_v.at[b],
                sems[b],
            )

        def wait_gather(b):
            pltpu.make_async_copy(
                table_hbm.at[idx_v.at[pl.ds(0, _CROWS)]], rows_v.at[b], sems[b]
            ).wait()

        def start_write(g, b):
            for i in range(_NB):
                pltpu.async_copy(
                    rows_v.at[b, pl.ds(i * _SEQP, _SEQP)],
                    out_hbm.at[bat_base + g * _NB + i, pl.ds(0, _SEQP)],
                    sems[b],
                )

        def wait_write(g, b):
            for i in range(_NB):
                pltpu.make_async_copy(
                    rows_v.at[b, pl.ds(i * _SEQP, _SEQP)],
                    out_hbm.at[bat_base + g * _NB + i, pl.ds(0, _SEQP)],
                    sems[b],
                ).wait()

        for b in range(_NBUF):
            start_gather(b, b)

        def group(gi, carry):
            for b in range(_NBUF):
                g = gi * _NBUF + b
                wait_gather(b)
                start_write(g, b)
                wait_write(g, b)

                @pl.when(g + _NBUF < n_chunks)
                def _():
                    start_gather(g + _NBUF, b)

            return carry

        lax.fori_loop(0, n_groups, group, 0)

    return gather_kernel


def kernel(indices, table):
    b, l = indices.shape
    idxp = jnp.pad(indices.astype(jnp.int32), ((0, 0), (0, _SEQP - l)), mode="edge")
    return _build(b, l)(idxp.reshape(-1), table)

# --- scband reference (transcript-rebuilt; emitter-appended) ---
"""Pipeline reference for scband-base-language-model-19490561589589 (READ-ONLY COPY).

The authoritative reference and input builder live on the scoring server;
editing this copy changes nothing except your own understanding.
"""

import jax, jax.numpy as jnp
import numpy as np

VOCAB = 100000
EMBED = 512
B = 4096
L = 50

def setup_inputs(seed: int = 0) -> dict:
    key = jax.random.key(seed)
    k_idx, k_tab = jax.random.split(key)
    indices = jax.random.randint(k_idx, (B, L), 0, VOCAB, dtype=jnp.int64 if jax.config.jax_enable_x64 else jnp.int32)
    table = jax.random.normal(k_tab, (VOCAB, EMBED), dtype=jnp.float32)
    return {"indices": indices, "table": table}

def reference(indices, table):
    # BaseLanguageModel._getEmbeddings_: nn.Embedding lookup -> table[indices]
    return jnp.take(table, indices, axis=0)

if __name__ == "__main__":
    import jax
    _d = setup_inputs()
    print(jax.jit(kernel)(*tuple(_d.values())))

</pallas_src>

<mosaic_0001>
#map = affine_map<(d0, d1) -> (0)>
#map1 = affine_map<(d0, d1) -> (0, 0)>
#map2 = affine_map<(d0, d1) -> (0, 0, 0)>
module attributes {stable_mosaic.version = 14 : i64} {
  func.func @gather_kernel(%arg0: i32, %arg1: i32, %arg2: memref<229376xi32, #tpu.memory_space<hbm>>, %arg3: memref<100000x512xf32, #tpu.memory_space<hbm>>, %arg4: memref<4096x50x512xf32, #tpu.memory_space<hbm>>, %arg5: memref<7168xi32, #tpu.memory_space<vmem>>, %arg6: memref<2x112x512xf32, #tpu.memory_space<vmem>>, %arg7: memref<!tpu.dma_semaphore, #tpu.memory_space<semaphore_mem>>, %arg8: memref<!tpu.dma_semaphore, #tpu.memory_space<semaphore_mem>>) attributes {dimension_semantics = [#tpu.dimension_semantics<core_parallel>, #tpu.dimension_semantics<subcore_parallel>], iteration_bounds = array<i64: 2, 16>, scalar_prefetch = 0 : i64, scratch_operands = 4 : i64, tpu.core_type = #tpu.core_type<sc_vector_subcore>, window_params = [{transform_indices = #map}, {transform_indices = #map1}, {transform_indices = #map2}]} {
    %mul3A = arith.constant 2 : i32
    %mul3A_0 = arith.muli %arg1, %mul3A : i32
    %add3A = arith.addi %mul3A_0, %arg0 : i32
    %mul3A_1 = arith.constant 128 : i32
    %mul3A_2 = arith.muli %add3A, %mul3A_1 : i32
    %mul3A_3 = arith.constant 56 : i32
    %mul3A_4 = arith.muli %mul3A_2, %mul3A_3 : i32
    "tpu.region"() ({
      %run_scoped3A = tpu.sem_alloc : memref<!tpu.dma_semaphore, #tpu.memory_space<semaphore_mem>>
      %dma_start3A_29 = tpu.memref_slice %arg2[%mul3A_4] : memref<229376xi32, #tpu.memory_space<hbm>> -> memref<7168xi32, #tpu.memory_space<hbm>>
      %dma_start3A_30 = tpu.memref_slice %arg2[%mul3A_4] : memref<229376xi32, #tpu.memory_space<hbm>> -> memref<7168xi32, #tpu.memory_space<hbm>>
      tpu.enqueue_dma source(%dma_start3A_30 : memref<7168xi32, #tpu.memory_space<hbm>>) target(%arg5 : memref<7168xi32, #tpu.memory_space<vmem>>) target_semaphore(%run_scoped3A : memref<!tpu.dma_semaphore, #tpu.memory_space<semaphore_mem>>)
      %dma_wait3A = tpu.memref_slice %arg2[%mul3A_4] : memref<229376xi32, #tpu.memory_space<hbm>> -> memref<7168xi32, #tpu.memory_space<hbm>>
      %dma_wait3A_31 = tpu.memref_slice %arg2[%mul3A_4] : memref<229376xi32, #tpu.memory_space<hbm>> -> memref<7168xi32, #tpu.memory_space<hbm>>
      tpu.wait_dma2 semaphore(%run_scoped3A : memref<!tpu.dma_semaphore, #tpu.memory_space<semaphore_mem>>) src(%dma_wait3A_31 : memref<7168xi32, #tpu.memory_space<hbm>>) dst(%arg5 : memref<7168xi32, #tpu.memory_space<vmem>>)
      tpu.yield
    }) : () -> ()
    %dma_start3A = arith.constant 0 : i32
    %dma_start3A_5 = arith.constant 0 : i32
    %dma_start3A_6 = arith.constant 0 : i32
    %dma_start3A_7 = tpu.memref_slice %arg6[%dma_start3A, %dma_start3A_5, %dma_start3A_6] : memref<2x112x512xf32, #tpu.memory_space<vmem>> -> memref<1x112x512xf32, #tpu.memory_space<vmem>>
    %dma_start3A_8 = tpu.memref_squeeze %dma_start3A_7 : memref<1x112x512xf32, #tpu.memory_space<vmem>> -> memref<112x512xf32, #tpu.memory_space<vmem>>
    %dma_start3A_9 = arith.constant 0 : i32
    %dma_start3A_10 = tpu.memref_slice %arg5[%dma_start3A_9] : memref<7168xi32, #tpu.memory_space<vmem>> -> memref<112xi32, #tpu.memory_space<vmem>>
    %dma_start3A_11 = arith.constant 0 : i32
    %dma_start3A_12 = arith.constant 0 : i32
    %dma_start3A_13 = tpu.memref_slice %arg3[%dma_start3A_11, %dma_start3A_12] : memref<100000x512xf32, #tpu.memory_space<hbm>> -> memref<100000x512xf32, #tpu.memory_space<hbm>>
    tpu.enqueue_indirect_dma source(%dma_start3A_13 : memref<100000x512xf32, #tpu.memory_space<hbm>>) target(%dma_start3A_8 : memref<112x512xf32, #tpu.memory_space<vmem>>) offsets(%dma_start3A_10 : memref<112xi32, #tpu.memory_space<vmem>>) semaphore(%arg7 : memref<!tpu.dma_semaphore, #tpu.memory_space<semaphore_mem>>)
    %dma_start3A_14 = arith.constant 1 : i32
    %dma_start3A_15 = arith.constant 0 : i32
    %dma_start3A_16 = arith.constant 0 : i32
    %dma_start3A_17 = tpu.memref_slice %arg6[%dma_start3A_14, %dma_start3A_15, %dma_start3A_16] : memref<2x112x512xf32, #tpu.memory_space<vmem>> -> memref<1x112x512xf32, #tpu.memory_space<vmem>>
    %dma_start3A_18 = tpu.memref_squeeze %dma_start3A_17 : memref<1x112x512xf32, #tpu.memory_space<vmem>> -> memref<112x512xf32, #tpu.memory_space<vmem>>
    %dma_start3A_19 = arith.constant 112 : i32
    %dma_start3A_20 = tpu.memref_slice %arg5[%dma_start3A_19] : memref<7168xi32, #tpu.memory_space<vmem>> -> memref<112xi32, #tpu.memory_space<vmem>>
    %dma_start3A_21 = arith.constant 0 : i32
    %dma_start3A_22 = arith.constant 0 : i32
    %dma_start3A_23 = tpu.memref_slice %arg3[%dma_start3A_21, %dma_start3A_22] : memref<100000x512xf32, #tpu.memory_space<hbm>> -> memref<100000x512xf32, #tpu.memory_space<hbm>>
    tpu.enqueue_indirect_dma source(%dma_start3A_23 : memref<100000x512xf32, #tpu.memory_space<hbm>>) target(%dma_start3A_18 : memref<112x512xf32, #tpu.memory_space<vmem>>) offsets(%dma_start3A_20 : memref<112xi32, #tpu.memory_space<vmem>>) semaphore(%arg8 : memref<!tpu.dma_semaphore, #tpu.memory_space<semaphore_mem>>)
    %scan3A = arith.constant 0 : i32
    %scan3A_24 = arith.constant 0 : i32
    %scan3A_25 = arith.constant 32 : i32
    %scan3A_26 = arith.addi %scan3A_24, %scan3A_25 : i32
    %scan3A_27 = arith.constant 1 : i32
    scf.for %scan3A_29 = %scan3A_24 to %scan3A_26 step %scan3A_27  : i32 {
      %mul3A_30 = arith.constant 2 : i32
      %mul3A_31 = arith.muli %scan3A_29, %mul3A_30 : i32
      %add3A_32 = arith.constant 0 : i32
      %add3A_33 = arith.addi %mul3A_31, %add3A_32 : i32
      %dma_wait3A = arith.constant 0 : i32
      %dma_wait3A_34 = arith.constant 0 : i32
      %dma_wait3A_35 = arith.constant 0 : i32
      %dma_wait3A_36 = tpu.memref_slice %arg6[%dma_wait3A, %dma_wait3A_34, %dma_wait3A_35] : memref<2x112x512xf32, #tpu.memory_space<vmem>> -> memref<1x112x512xf32, #tpu.memory_space<vmem>>
      %dma_wait3A_37 = tpu.memref_squeeze %dma_wait3A_36 : memref<1x112x512xf32, #tpu.memory_space<vmem>> -> memref<112x512xf32, #tpu.memory_space<vmem>>
      %dma_wait3A_38 = arith.constant 0 : i32
      %dma_wait3A_39 = tpu.memref_slice %arg5[%dma_wait3A_38] : memref<7168xi32, #tpu.memory_space<vmem>> -> memref<112xi32, #tpu.memory_space<vmem>>
      %dma_wait3A_40 = arith.constant 0 : i32
      %dma_wait3A_41 = arith.constant 0 : i32
      %dma_wait3A_42 = tpu.memref_slice %arg3[%dma_wait3A_40, %dma_wait3A_41] : memref<100000x512xf32, #tpu.memory_space<hbm>> -> memref<100000x512xf32, #tpu.memory_space<hbm>>
      tpu.wait_indirect_dma semaphore(%arg7 : memref<!tpu.dma_semaphore, #tpu.memory_space<semaphore_mem>>) src(%dma_wait3A_42 : memref<100000x512xf32, #tpu.memory_space<hbm>>) dst(%dma_wait3A_37 : memref<112x512xf32, #tpu.memory_space<vmem>>)
      %mul3A_43 = arith.constant 2 : i32
      %mul3A_44 = arith.muli %add3A_33, %mul3A_43 : i32
      %add3A_45 = arith.addi %mul3A_2, %mul3A_44 : i32
      %add3A_46 = arith.constant 0 : i32
      %add3A_47 = arith.addi %add3A_45, %add3A_46 : i32
      %dma_start3A_48 = arith.constant 0 : i32
      %dma_start3A_49 = arith.constant 0 : i32
      %dma_start3A_50 = arith.constant 0 : i32
      %dma_start3A_51 = tpu.memref_slice %arg6[%dma_start3A_48, %dma_start3A_49, %dma_start3A_50] : memref<2x112x512xf32, #tpu.memory_space<vmem>> -> memref<1x56x512xf32, #tpu.memory_space<vmem>>
      %dma_start3A_52 = tpu.memref_squeeze %dma_start3A_51 : memref<1x56x512xf32, #tpu.memory_space<vmem>> -> memref<56x512xf32, #tpu.memory_space<vmem>>
      %dma_start3A_53 = arith.constant 0 : i32
      %dma_start3A_54 = arith.constant 0 : i32
      %dma_start3A_55 = tpu.memref_slice %arg4[%add3A_47, %dma_start3A_53, %dma_start3A_54] : memref<4096x50x512xf32, #tpu.memory_space<hbm>> -> memref<1x56x512xf32, #tpu.memory_space<hbm>>
      %dma_start3A_56 = tpu.memref_squeeze %dma_start3A_55 : memref<1x56x512xf32, #tpu.memory_space<hbm>> -> memref<56x512xf32, #tpu.memory_space<hbm>>
      %dma_start3A_57 = arith.constant 0 : i32
      %dma_start3A_58 = arith.constant 0 : i32
      %dma_start3A_59 = tpu.memref_slice %arg4[%add3A_47, %dma_start3A_57, %dma_start3A_58] : memref<4096x50x512xf32, #tpu.memory_space<hbm>> -> memref<1x56x512xf32, #tpu.memory_space<hbm>>
      %dma_start3A_60 = tpu.memref_squeeze %dma_start3A_59 : memref<1x56x512xf32, #tpu.memory_space<hbm>> -> memref<56x512xf32, #tpu.memory_space<hbm>>
      %dma_start3A_61 = arith.constant 0 : i32
      %dma_start3A_62 = arith.constant 0 : i32
      %dma_start3A_63 = tpu.memref_slice %arg6[%dma_start3A_48, %dma_start3A_61, %dma_start3A_62] : memref<2x112x512xf32, #tpu.memory_space<vmem>> -> memref<1x56x512xf32, #tpu.memory_space<vmem>>
      %dma_start3A_64 = tpu.memref_squeeze %dma_start3A_63 : memref<1x56x512xf32, #tpu.memory_space<vmem>> -> memref<56x512xf32, #tpu.memory_space<vmem>>
      tpu.enqueue_dma source(%dma_start3A_64 : memref<56x512xf32, #tpu.memory_space<vmem>>) target(%dma_start3A_60 : memref<56x512xf32, #tpu.memory_space<hbm>>) target_semaphore(%arg7 : memref<!tpu.dma_semaphore, #tpu.memory_space<semaphore_mem>>)
      %mul3A_65 = arith.constant 2 : i32
      %mul3A_66 = arith.muli %add3A_33, %mul3A_65 : i32
      %add3A_67 = arith.addi %mul3A_2, %mul3A_66 : i32
      %add3A_68 = arith.constant 1 : i32
      %add3A_69 = arith.addi %add3A_67, %add3A_68 : i32
      %dma_start3A_70 = arith.constant 0 : i32
      %dma_start3A_71 = arith.constant 56 : i32
      %dma_start3A_72 = arith.constant 0 : i32
      %dma_start3A_73 = tpu.memref_slice %arg6[%dma_start3A_70, %dma_start3A_71, %dma_start3A_72] : memref<2x112x512xf32, #tpu.memory_space<vmem>> -> memref<1x56x512xf32, #tpu.memory_space<vmem>>
      %dma_start3A_74 = tpu.memref_squeeze %dma_start3A_73 : memref<1x56x512xf32, #tpu.memory_space<vmem>> -> memref<56x512xf32, #tpu.memory_space<vmem>>
      %dma_start3A_75 = arith.constant 0 : i32
      %dma_start3A_76 = arith.constant 0 : i32
      %dma_start3A_77 = tpu.memref_slice %arg4[%add3A_69, %dma_start3A_75, %dma_start3A_76] : memref<4096x50x512xf32, #tpu.memory_space<hbm>> -> memref<1x56x512xf32, #tpu.memory_space<hbm>>
      %dma_start3A_78 = tpu.memref_squeeze %dma_start3A_77 : memref<1x56x512xf32, #tpu.memory_space<hbm>> -> memref<56x512xf32, #tpu.memory_space<hbm>>
      %dma_start3A_79 = arith.constant 0 : i32
      %dma_start3A_80 = arith.constant 0 : i32
      %dma_start3A_81 = tpu.memref_slice %arg4[%add3A_69, %dma_start3A_79, %dma_start3A_80] : memref<4096x50x512xf32, #tpu.memory_space<hbm>> -> memref<1x56x512xf32, #tpu.memory_space<hbm>>
      %dma_start3A_82 = tpu.memref_squeeze %dma_start3A_81 : memref<1x56x512xf32, #tpu.memory_space<hbm>> -> memref<56x512xf32, #tpu.memory_space<hbm>>
      %dma_start3A_83 = arith.constant 56 : i32
      %dma_start3A_84 = arith.constant 0 : i32
      %dma_start3A_85 = tpu.memref_slice %arg6[%dma_start3A_70, %dma_start3A_83, %dma_start3A_84] : memref<2x112x512xf32, #tpu.memory_space<vmem>> -> memref<1x56x512xf32, #tpu.memory_space<vmem>>
      %dma_start3A_86 = tpu.memref_squeeze %dma_start3A_85 : memref<1x56x512xf32, #tpu.memory_space<vmem>> -> memref<56x512xf32, #tpu.memory_space<vmem>>
      tpu.enqueue_dma source(%dma_start3A_86 : memref<56x512xf32, #tpu.memory_space<vmem>>) target(%dma_start3A_82 : memref<56x512xf32, #tpu.memory_space<hbm>>) target_semaphore(%arg7 : memref<!tpu.dma_semaphore, #tpu.memory_space<semaphore_mem>>)
      %mul3A_87 = arith.constant 2 : i32
      %mul3A_88 = arith.muli %add3A_33, %mul3A_87 : i32
      %add3A_89 = arith.addi %mul3A_2, %mul3A_88 : i32
      %add3A_90 = arith.constant 0 : i32
      %add3A_91 = arith.addi %add3A_89, %add3A_90 : i32
      %dma_wait3A_92 = arith.constant 0 : i32
      %dma_wait3A_93 = arith.constant 0 : i32
      %dma_wait3A_94 = arith.constant 0 : i32
      %dma_wait3A_95 = tpu.memref_slice %arg6[%dma_wait3A_92, %dma_wait3A_93, %dma_wait3A_94] : memref<2x112x512xf32, #tpu.memory_space<vmem>> -> memref<1x56x512xf32, #tpu.memory_space<vmem>>
      %dma_wait3A_96 = tpu.memref_squeeze %dma_wait3A_95 : memref<1x56x512xf32, #tpu.memory_space<vmem>> -> memref<56x512xf32, #tpu.memory_space<vmem>>
      %dma_wait3A_97 = arith.constant 0 : i32
      %dma_wait3A_98 = arith.constant 0 : i32
      %dma_wait3A_99 = tpu.memref_slice %arg4[%add3A_91, %dma_wait3A_97, %dma_wait3A_98] : memref<4096x50x512xf32, #tpu.memory_space<hbm>> -> memref<1x56x512xf32, #tpu.memory_space<hbm>>
      %dma_wait3A_100 = tpu.memref_squeeze %dma_wait3A_99 : memref<1x56x512xf32, #tpu.memory_space<hbm>> -> memref<56x512xf32, #tpu.memory_space<hbm>>
      %dma_wait3A_101 = arith.constant 0 : i32
      %dma_wait3A_102 = arith.constant 0 : i32
      %dma_wait3A_103 = tpu.memref_slice %arg4[%add3A_91, %dma_wait3A_101, %dma_wait3A_102] : memref<4096x50x512xf32, #tpu.memory_space<hbm>> -> memref<1x56x512xf32, #tpu.memory_space<hbm>>
      %dma_wait3A_104 = tpu.memref_squeeze %dma_wait3A_103 : memref<1x56x512xf32, #tpu.memory_space<hbm>> -> memref<56x512xf32, #tpu.memory_space<hbm>>
      %dma_wait3A_105 = arith.constant 0 : i32
      %dma_wait3A_106 = arith.constant 0 : i32
      %dma_wait3A_107 = tpu.memref_slice %arg6[%dma_wait3A_92, %dma_wait3A_105, %dma_wait3A_106] : memref<2x112x512xf32, #tpu.memory_space<vmem>> -> memref<1x56x512xf32, #tpu.memory_space<vmem>>
      %dma_wait3A_108 = tpu.memref_squeeze %dma_wait3A_107 : memref<1x56x512xf32, #tpu.memory_space<vmem>> -> memref<56x512xf32, #tpu.memory_space<vmem>>
      tpu.wait_dma2 semaphore(%arg7 : memref<!tpu.dma_semaphore, #tpu.memory_space<semaphore_mem>>) src(%dma_wait3A_108 : memref<56x512xf32, #tpu.memory_space<vmem>>) dst(%dma_wait3A_104 : memref<56x512xf32, #tpu.memory_space<hbm>>)
      %mul3A_109 = arith.constant 2 : i32
      %mul3A_110 = arith.muli %add3A_33, %mul3A_109 : i32
      %add3A_111 = arith.addi %mul3A_2, %mul3A_110 : i32
      %add3A_112 = arith.constant 1 : i32
      %add3A_113 = arith.addi %add3A_111, %add3A_112 : i32
      %dma_wait3A_114 = arith.constant 0 : i32
      %dma_wait3A_115 = arith.constant 56 : i32
      %dma_wait3A_116 = arith.constant 0 : i32
      %dma_wait3A_117 = tpu.memref_slice %arg6[%dma_wait3A_114, %dma_wait3A_115, %dma_wait3A_116] : memref<2x112x512xf32, #tpu.memory_space<vmem>> -> memref<1x56x512xf32, #tpu.memory_space<vmem>>
      %dma_wait3A_118 = tpu.memref_squeeze %dma_wait3A_117 : memref<1x56x512xf32, #tpu.memory_space<vmem>> -> memref<56x512xf32, #tpu.memory_space<vmem>>
      %dma_wait3A_119 = arith.constant 0 : i32
      %dma_wait3A_120 = arith.constant 0 : i32
      %dma_wait3A_121 = tpu.memref_slice %arg4[%add3A_113, %dma_wait3A_119, %dma_wait3A_120] : memref<4096x50x512xf32, #tpu.memory_space<hbm>> -> memref<1x56x512xf32, #tpu.memory_space<hbm>>
      %dma_wait3A_122 = tpu.memref_squeeze %dma_wait3A_121 : memref<1x56x512xf32, #tpu.memory_space<hbm>> -> memref<56x512xf32, #tpu.memory_space<hbm>>
      %dma_wait3A_123 = arith.constant 0 : i32
      %dma_wait3A_124 = arith.constant 0 : i32
      %dma_wait3A_125 = tpu.memref_slice %arg4[%add3A_113, %dma_wait3A_123, %dma_wait3A_124] : memref<4096x50x512xf32, #tpu.memory_space<hbm>> -> memref<1x56x512xf32, #tpu.memory_space<hbm>>
      %dma_wait3A_126 = tpu.memref_squeeze %dma_wait3A_125 : memref<1x56x512xf32, #tpu.memory_space<hbm>> -> memref<56x512xf32, #tpu.memory_space<hbm>>
      %dma_wait3A_127 = arith.constant 56 : i32
      %dma_wait3A_128 = arith.constant 0 : i32
      %dma_wait3A_129 = tpu.memref_slice %arg6[%dma_wait3A_114, %dma_wait3A_127, %dma_wait3A_128] : memref<2x112x512xf32, #tpu.memory_space<vmem>> -> memref<1x56x512xf32, #tpu.memory_space<vmem>>
      %dma_wait3A_130 = tpu.memref_squeeze %dma_wait3A_129 : memref<1x56x512xf32, #tpu.memory_space<vmem>> -> memref<56x512xf32, #tpu.memory_space<vmem>>
      tpu.wait_dma2 semaphore(%arg7 : memref<!tpu.dma_semaphore, #tpu.memory_space<semaphore_mem>>) src(%dma_wait3A_130 : memref<56x512xf32, #tpu.memory_space<vmem>>) dst(%dma_wait3A_126 : memref<56x512xf32, #tpu.memory_space<hbm>>)
      %add3A_131 = arith.constant 2 : i32
      %add3A_132 = arith.addi %add3A_33, %add3A_131 : i32
      %lt3A = arith.constant 64 : i32
      %lt3A_133 = arith.cmpi slt, %add3A_132, %lt3A : i32
      %convert_element_type3A = arith.extui %lt3A_133 : i1 to i32
      %cond3A = arith.constant 0 : i32
      %cond3A_134 = arith.cmpi ne, %convert_element_type3A, %cond3A : i32
      scf.if %cond3A_134 {
        %add3A_244 = arith.constant 2 : i32
        %add3A_245 = arith.addi %add3A_33, %add3A_244 : i32
        %mul3A_246 = arith.constant 112 : i32
        %mul3A_247 = arith.muli %add3A_245, %mul3A_246 : i32
        %dma_start3A_248 = arith.constant 0 : i32
        %dma_start3A_249 = arith.constant 0 : i32
        %dma_start3A_250 = arith.constant 0 : i32
        %dma_start3A_251 = tpu.memref_slice %arg6[%dma_start3A_248, %dma_start3A_249, %dma_start3A_250] : memref<2x112x512xf32, #tpu.memory_space<vmem>> -> memref<1x112x512xf32, #tpu.memory_space<vmem>>
        %dma_start3A_252 = tpu.memref_squeeze %dma_start3A_251 : memref<1x112x512xf32, #tpu.memory_space<vmem>> -> memref<112x512xf32, #tpu.memory_space<vmem>>
        %dma_start3A_253 = tpu.memref_slice %arg5[%mul3A_247] : memref<7168xi32, #tpu.memory_space<vmem>> -> memref<112xi32, #tpu.memory_space<vmem>>
        %dma_start3A_254 = arith.constant 0 : i32
        %dma_start3A_255 = arith.constant 0 : i32
        %dma_start3A_256 = tpu.memref_slice %arg3[%dma_start3A_254, %dma_start3A_255] : memref<100000x512xf32, #tpu.memory_space<hbm>> -> memref<100000x512xf32, #tpu.memory_space<hbm>>
        tpu.enqueue_indirect_dma source(%dma_start3A_256 : memref<100000x512xf32, #tpu.memory_space<hbm>>) target(%dma_start3A_252 : memref<112x512xf32, #tpu.memory_space<vmem>>) offsets(%dma_start3A_253 : memref<112xi32, #tpu.memory_space<vmem>>) semaphore(%arg7 : memref<!tpu.dma_semaphore, #tpu.memory_space<semaphore_mem>>)
      } else {
      }
      %mul3A_135 = arith.constant 2 : i32
      %mul3A_136 = arith.muli %scan3A_29, %mul3A_135 : i32
      %add3A_137 = arith.constant 1 : i32
      %add3A_138 = arith.addi %mul3A_136, %add3A_137 : i32
      %dma_wait3A_139 = arith.constant 1 : i32
      %dma_wait3A_140 = arith.constant 0 : i32
      %dma_wait3A_141 = arith.constant 0 : i32
      %dma_wait3A_142 = tpu.memref_slice %arg6[%dma_wait3A_139, %dma_wait3A_140, %dma_wait3A_141] : memref<2x112x512xf32, #tpu.memory_space<vmem>> -> memref<1x112x512xf32, #tpu.memory_space<vmem>>
      %dma_wait3A_143 = tpu.memref_squeeze %dma_wait3A_142 : memref<1x112x512xf32, #tpu.memory_space<vmem>> -> memref<112x512xf32, #tpu.memory_space<vmem>>
      %dma_wait3A_144 = arith.constant 0 : i32
      %dma_wait3A_145 = tpu.memref_slice %arg5[%dma_wait3A_144] : memref<7168xi32, #tpu.memory_space<vmem>> -> memref<112xi32, #tpu.memory_space<vmem>>
      %dma_wait3A_146 = arith.constant 0 : i32
      %dma_wait3A_147 = arith.constant 0 : i32
      %dma_wait3A_148 = tpu.memref_slice %arg3[%dma_wait3A_146, %dma_wait3A_147] : memref<100000x512xf32, #tpu.memory_space<hbm>> -> memref<100000x512xf32, #tpu.memory_space<hbm>>
      tpu.wait_indirect_dma semaphore(%arg8 : memref<!tpu.dma_semaphore, #tpu.memory_space<semaphore_mem>>) src(%dma_wait3A_148 : memref<100000x512xf32, #tpu.memory_space<hbm>>) dst(%dma_wait3A_143 : memref<112x512xf32, #tpu.memory_space<vmem>>)
      %mul3A_149 = arith.constant 2 : i32
      %mul3A_150 = arith.muli %add3A_138, %mul3A_149 : i32
      %add3A_151 = arith.addi %mul3A_2, %mul3A_150 : i32
      %add3A_152 = arith.constant 0 : i32
      %add3A_153 = arith.addi %add3A_151, %add3A_152 : i32
      %dma_start3A_154 = arith.constant 1 : i32
      %dma_start3A_155 = arith.constant 0 : i32
      %dma_start3A_156 = arith.constant 0 : i32
      %dma_start3A_157 = tpu.memref_slice %arg6[%dma_start3A_154, %dma_start3A_155, %dma_start3A_156] : memref<2x112x512xf32, #tpu.memory_space<vmem>> -> memref<1x56x512xf32, #tpu.memory_space<vmem>>
      %dma_start3A_158 = tpu.memref_squeeze %dma_start3A_157 : memref<1x56x512xf32, #tpu.memory_space<vmem>> -> memref<56x512xf32, #tpu.memory_space<vmem>>
      %dma_start3A_159 = arith.constant 0 : i32
      %dma_start3A_160 = arith.constant 0 : i32
      %dma_start3A_161 = tpu.memref_slice %arg4[%add3A_153, %dma_start3A_159, %dma_start3A_160] : memref<4096x50x512xf32, #tpu.memory_space<hbm>> -> memref<1x56x512xf32, #tpu.memory_space<hbm>>
      %dma_start3A_162 = tpu.memref_squeeze %dma_start3A_161 : memref<1x56x512xf32, #tpu.memory_space<hbm>> -> memref<56x512xf32, #tpu.memory_space<hbm>>
      %dma_start3A_163 = arith.constant 0 : i32
      %dma_start3A_164 = arith.constant 0 : i32
      %dma_start3A_165 = tpu.memref_slice %arg4[%add3A_153, %dma_start3A_163, %dma_start3A_164] : memref<4096x50x512xf32, #tpu.memory_space<hbm>> -> memref<1x56x512xf32, #tpu.memory_space<hbm>>
      %dma_start3A_166 = tpu.memref_squeeze %dma_start3A_165 : memref<1x56x512xf32, #tpu.memory_space<hbm>> -> memref<56x512xf32, #tpu.memory_space<hbm>>
      %dma_start3A_167 = arith.constant 0 : i32
      %dma_start3A_168 = arith.constant 0 : i32
      %dma_start3A_169 = tpu.memref_slice %arg6[%dma_start3A_154, %dma_start3A_167, %dma_start3A_168] : memref<2x112x512xf32, #tpu.memory_space<vmem>> -> memref<1x56x512xf32, #tpu.memory_space<vmem>>
      %dma_start3A_170 = tpu.memref_squeeze %dma_start3A_169 : memref<1x56x512xf32, #tpu.memory_space<vmem>> -> memref<56x512xf32, #tpu.memory_space<vmem>>
      tpu.enqueue_dma source(%dma_start3A_170 : memref<56x512xf32, #tpu.memory_space<vmem>>) target(%dma_start3A_166 : memref<56x512xf32, #tpu.memory_space<hbm>>) target_semaphore(%arg8 : memref<!tpu.dma_semaphore, #tpu.memory_space<semaphore_mem>>)
      %mul3A_171 = arith.constant 2 : i32
      %mul3A_172 = arith.muli %add3A_138, %mul3A_171 : i32
      %add3A_173 = arith.addi %mul3A_2, %mul3A_172 : i32
      %add3A_174 = arith.constant 1 : i32
      %add3A_175 = arith.addi %add3A_173, %add3A_174 : i32
      %dma_start3A_176 = arith.constant 1 : i32
      %dma_start3A_177 = arith.constant 56 : i32
      %dma_start3A_178 = arith.constant 0 : i32
      %dma_start3A_179 = tpu.memref_slice %arg6[%dma_start3A_176, %dma_start3A_177, %dma_start3A_178] : memref<2x112x512xf32, #tpu.memory_space<vmem>> -> memref<1x56x512xf32, #tpu.memory_space<vmem>>
      %dma_start3A_180 = tpu.memref_squeeze %dma_start3A_179 : memref<1x56x512xf32, #tpu.memory_space<vmem>> -> memref<56x512xf32, #tpu.memory_space<vmem>>
      %dma_start3A_181 = arith.constant 0 : i32
      %dma_start3A_182 = arith.constant 0 : i32
      %dma_start3A_183 = tpu.memref_slice %arg4[%add3A_175, %dma_start3A_181, %dma_start3A_182] : memref<4096x50x512xf32, #tpu.memory_space<hbm>> -> memref<1x56x512xf32, #tpu.memory_space<hbm>>
      %dma_start3A_184 = tpu.memref_squeeze %dma_start3A_183 : memref<1x56x512xf32, #tpu.memory_space<hbm>> -> memref<56x512xf32, #tpu.memory_space<hbm>>
      %dma_start3A_185 = arith.constant 0 : i32
      %dma_start3A_186 = arith.constant 0 : i32
      %dma_start3A_187 = tpu.memref_slice %arg4[%add3A_175, %dma_start3A_185, %dma_start3A_186] : memref<4096x50x512xf32, #tpu.memory_space<hbm>> -> memref<1x56x512xf32, #tpu.memory_space<hbm>>
      %dma_start3A_188 = tpu.memref_squeeze %dma_start3A_187 : memref<1x56x512xf32, #tpu.memory_space<hbm>> -> memref<56x512xf32, #tpu.memory_space<hbm>>
      %dma_start3A_189 = arith.constant 56 : i32
      %dma_start3A_190 = arith.constant 0 : i32
      %dma_start3A_191 = tpu.memref_slice %arg6[%dma_start3A_176, %dma_start3A_189, %dma_start3A_190] : memref<2x112x512xf32, #tpu.memory_space<vmem>> -> memref<1x56x512xf32, #tpu.memory_space<vmem>>
      %dma_start3A_192 = tpu.memref_squeeze %dma_start3A_191 : memref<1x56x512xf32, #tpu.memory_space<vmem>> -> memref<56x512xf32, #tpu.memory_space<vmem>>
      tpu.enqueue_dma source(%dma_start3A_192 : memref<56x512xf32, #tpu.memory_space<vmem>>) target(%dma_start3A_188 : memref<56x512xf32, #tpu.memory_space<hbm>>) target_semaphore(%arg8 : memref<!tpu.dma_semaphore, #tpu.memory_space<semaphore_mem>>)
      %mul3A_193 = arith.constant 2 : i32
      %mul3A_194 = arith.muli %add3A_138, %mul3A_193 : i32
      %add3A_195 = arith.addi %mul3A_2, %mul3A_194 : i32
      %add3A_196 = arith.constant 0 : i32
      %add3A_197 = arith.addi %add3A_195, %add3A_196 : i32
      %dma_wait3A_198 = arith.constant 1 : i32
      %dma_wait3A_199 = arith.constant 0 : i32
      %dma_wait3A_200 = arith.constant 0 : i32
      %dma_wait3A_201 = tpu.memref_slice %arg6[%dma_wait3A_198, %dma_wait3A_199, %dma_wait3A_200] : memref<2x112x512xf32, #tpu.memory_space<vmem>> -> memref<1x56x512xf32, #tpu.memory_space<vmem>>
      %dma_wait3A_202 = tpu.memref_squeeze %dma_wait3A_201 : memref<1x56x512xf32, #tpu.memory_space<vmem>> -> memref<56x512xf32, #tpu.memory_space<vmem>>
      %dma_wait3A_203 = arith.constant 0 : i32
      %dma_wait3A_204 = arith.constant 0 : i32
      %dma_wait3A_205 = tpu.memref_slice %arg4[%add3A_197, %dma_wait3A_203, %dma_wait3A_204] : memref<4096x50x512xf32, #tpu.memory_space<hbm>> -> memref<1x56x512xf32, #tpu.memory_space<hbm>>
      %dma_wait3A_206 = tpu.memref_squeeze %dma_wait3A_205 : memref<1x56x512xf32, #tpu.memory_space<hbm>> -> memref<56x512xf32, #tpu.memory_space<hbm>>
      %dma_wait3A_207 = arith.constant 0 : i32
      %dma_wait3A_208 = arith.constant 0 : i32
      %dma_wait3A_209 = tpu.memref_slice %arg4[%add3A_197, %dma_wait3A_207, %dma_wait3A_208] : memref<4096x50x512xf32, #tpu.memory_space<hbm>> -> memref<1x56x512xf32, #tpu.memory_space<hbm>>
      %dma_wait3A_210 = tpu.memref_squeeze %dma_wait3A_209 : memref<1x56x512xf32, #tpu.memory_space<hbm>> -> memref<56x512xf32, #tpu.memory_space<hbm>>
      %dma_wait3A_211 = arith.constant 0 : i32
      %dma_wait3A_212 = arith.constant 0 : i32
      %dma_wait3A_213 = tpu.memref_slice %arg6[%dma_wait3A_198, %dma_wait3A_211, %dma_wait3A_212] : memref<2x112x512xf32, #tpu.memory_space<vmem>> -> memref<1x56x512xf32, #tpu.memory_space<vmem>>
      %dma_wait3A_214 = tpu.memref_squeeze %dma_wait3A_213 : memref<1x56x512xf32, #tpu.memory_space<vmem>> -> memref<56x512xf32, #tpu.memory_space<vmem>>
      tpu.wait_dma2 semaphore(%arg8 : memref<!tpu.dma_semaphore, #tpu.memory_space<semaphore_mem>>) src(%dma_wait3A_214 : memref<56x512xf32, #tpu.memory_space<vmem>>) dst(%dma_wait3A_210 : memref<56x512xf32, #tpu.memory_space<hbm>>)
      %mul3A_215 = arith.constant 2 : i32
      %mul3A_216 = arith.muli %add3A_138, %mul3A_215 : i32
      %add3A_217 = arith.addi %mul3A_2, %mul3A_216 : i32
      %add3A_218 = arith.constant 1 : i32
      %add3A_219 = arith.addi %add3A_217, %add3A_218 : i32
      %dma_wait3A_220 = arith.constant 1 : i32
      %dma_wait3A_221 = arith.constant 56 : i32
      %dma_wait3A_222 = arith.constant 0 : i32
      %dma_wait3A_223 = tpu.memref_slice %arg6[%dma_wait3A_220, %dma_wait3A_221, %dma_wait3A_222] : memref<2x112x512xf32, #tpu.memory_space<vmem>> -> memref<1x56x512xf32, #tpu.memory_space<vmem>>
      %dma_wait3A_224 = tpu.memref_squeeze %dma_wait3A_223 : memref<1x56x512xf32, #tpu.memory_space<vmem>> -> memref<56x512xf32, #tpu.memory_space<vmem>>
      %dma_wait3A_225 = arith.constant 0 : i32
      %dma_wait3A_226 = arith.constant 0 : i32
      %dma_wait3A_227 = tpu.memref_slice %arg4[%add3A_219, %dma_wait3A_225, %dma_wait3A_226] : memref<4096x50x512xf32, #tpu.memory_space<hbm>> -> memref<1x56x512xf32, #tpu.memory_space<hbm>>
      %dma_wait3A_228 = tpu.memref_squeeze %dma_wait3A_227 : memref<1x56x512xf32, #tpu.memory_space<hbm>> -> memref<56x512xf32, #tpu.memory_space<hbm>>
      %dma_wait3A_229 = arith.constant 0 : i32
      %dma_wait3A_230 = arith.constant 0 : i32
      %dma_wait3A_231 = tpu.memref_slice %arg4[%add3A_219, %dma_wait3A_229, %dma_wait3A_230] : memref<4096x50x512xf32, #tpu.memory_space<hbm>> -> memref<1x56x512xf32, #tpu.memory_space<hbm>>
      %dma_wait3A_232 = tpu.memref_squeeze %dma_wait3A_231 : memref<1x56x512xf32, #tpu.memory_space<hbm>> -> memref<56x512xf32, #tpu.memory_space<hbm>>
      %dma_wait3A_233 = arith.constant 56 : i32
      %dma_wait3A_234 = arith.constant 0 : i32
      %dma_wait3A_235 = tpu.memref_slice %arg6[%dma_wait3A_220, %dma_wait3A_233, %dma_wait3A_234] : memref<2x112x512xf32, #tpu.memory_space<vmem>> -> memref<1x56x512xf32, #tpu.memory_space<vmem>>
      %dma_wait3A_236 = tpu.memref_squeeze %dma_wait3A_235 : memref<1x56x512xf32, #tpu.memory_space<vmem>> -> memref<56x512xf32, #tpu.memory_space<vmem>>
      tpu.wait_dma2 semaphore(%arg8 : memref<!tpu.dma_semaphore, #tpu.memory_space<semaphore_mem>>) src(%dma_wait3A_236 : memref<56x512xf32, #tpu.memory_space<vmem>>) dst(%dma_wait3A_232 : memref<56x512xf32, #tpu.memory_space<hbm>>)
      %add3A_237 = arith.constant 2 : i32
      %add3A_238 = arith.addi %add3A_138, %add3A_237 : i32
      %lt3A_239 = arith.constant 64 : i32
      %lt3A_240 = arith.cmpi slt, %add3A_238, %lt3A_239 : i32
      %convert_element_type3A_241 = arith.extui %lt3A_240 : i1 to i32
      %cond3A_242 = arith.constant 0 : i32
      %cond3A_243 = arith.cmpi ne, %convert_element_type3A_241, %cond3A_242 : i32
      scf.if %cond3A_243 {
        %add3A_244 = arith.constant 2 : i32
        %add3A_245 = arith.addi %add3A_138, %add3A_244 : i32
        %mul3A_246 = arith.constant 112 : i32
        %mul3A_247 = arith.muli %add3A_245, %mul3A_246 : i32
        %dma_start3A_248 = arith.constant 1 : i32
        %dma_start3A_249 = arith.constant 0 : i32
        %dma_start3A_250 = arith.constant 0 : i32
        %dma_start3A_251 = tpu.memref_slice %arg6[%dma_start3A_248, %dma_start3A_249, %dma_start3A_250] : memref<2x112x512xf32, #tpu.memory_space<vmem>> -> memref<1x112x512xf32, #tpu.memory_space<vmem>>
        %dma_start3A_252 = tpu.memref_squeeze %dma_start3A_251 : memref<1x112x512xf32, #tpu.memory_space<vmem>> -> memref<112x512xf32, #tpu.memory_space<vmem>>
        %dma_start3A_253 = tpu.memref_slice %arg5[%mul3A_247] : memref<7168xi32, #tpu.memory_space<vmem>> -> memref<112xi32, #tpu.memory_space<vmem>>
        %dma_start3A_254 = arith.constant 0 : i32
        %dma_start3A_255 = arith.constant 0 : i32
        %dma_start3A_256 = tpu.memref_slice %arg3[%dma_start3A_254, %dma_start3A_255] : memref<100000x512xf32, #tpu.memory_space<hbm>> -> memref<100000x512xf32, #tpu.memory_space<hbm>>
        tpu.enqueue_indirect_dma source(%dma_start3A_256 : memref<100000x512xf32, #tpu.memory_space<hbm>>) target(%dma_start3A_252 : memref<112x512xf32, #tpu.memory_space<vmem>>) offsets(%dma_start3A_253 : memref<112xi32, #tpu.memory_space<vmem>>) semaphore(%arg8 : memref<!tpu.dma_semaphore, #tpu.memory_space<semaphore_mem>>)
      } else {
      }
    }
    %scan3A_28 = arith.constant 32 : i32
    return
  }
}

</mosaic_0001>

<sc_bundles>
// kernel: kernel.3.cloned.1.call-start
scs
__scs_entry_jumppad:
0x0: {  	(pc) =	sbr.rel $0x88, $3  }
0x1: {  	(tag) =	ssettag $0x0;
	lr =	simm.s32 $0x1  }
0x2: {  	[smem:$0x3F9F] =	sst lr;
	_ =	strace $0xD0000000  }
0x3: {  	_ = 	snop  }
0x4: {  	_ = 	snop  }
0x5: {  	_ = 	snop  }
0x6: {  	_ = 	snop  }
0x7: {  	_ = 	snop  }
__scs_overlays_trampoline_lowered:
0x8: {  	[smem:$0x3FAE] =	sst s0  }
0x9: {  	[smem:$0x3FAF] =	sst s1  }
0xa: {  	[smem:$0x3FB0] =	sst s2  }
0xb: {  	[smem:$0x3FB1] =	sst s3  }
0xc: {  	[smem:$0x3FB2] =	sst s4  }
0xd: {  	[smem:$0x3FB3] =	sst s5  }
0xe: {  	[smem:$0x3FB4] =	sst s6  }
0xf: {  	[smem:$0x3FB5] =	sst s7  }
0x10: {  	[smem:$0x3FB6] =	sst s8  }
0x11: {  	[smem:$0x3FB7] =	sst s9;
	s0 =	simm.s32 @!p0 $0x0  }
0x12: {  	s1 =	sld [smem:$0x3F9D];
	s0 =	simm.s32 @p0 $0x1  }
0x13: {  	[smem:$0x3FB8] =	sst s0;
	s0 =	simm.s32 @!p1 $0x0  }
0x14: {  	s2 =	sld [smem:$0x3F9C];
	s0 =	simm.s32 @p1 $0x1  }
0x15: {  	[smem:$0x3FB9] =	sst s0;
	s0 =	simm.s32 @!p2 $0x0  }
0x16: {  	s3 =	sld [smem:$0x3FDB];
	s0 =	simm.s32 @p2 $0x1  }
0x17: {  	s4 =	simm.s32 $0x1BF5;
	[smem:$0x3FBB] =	sst s0  }
0x18: {  	s0 =	sld [smem:$0x3F9E];
	_ =	swait.ge [sflag:s4], $0x0  }
0x19: {  	s7 =	sld [smem:$0x3F9F]  }
0x1a: {  	s8 =	sadd.s32 $0xFFFFE003, lr  }
0x1b: {  	s9 =	sadd.s32 $0xFFFFFEF7, lr;
	s5 =	simm.s32 $0xFFFFFFFF;
	p2 =	slt.u32 s8, $0xFFFFF086  }
0x1c: {  	p1 =	slt.u32 s9, $0xF7A;
	s5 =	simm.s32 @!p2 $0x0  }
0x1d: {  	s5 =	simm.s32 @p1 $0x1;
	p0 =	seq.s32 s7, s2  }
0x1e: {  	s7 =	smul.u32 @!p0 $0xF7A, s2;
	p2 =	seq.s32 @!p0 s5, $0x0  }
0x1f: {  	s9 =	smul.u32 $0xF7A, s1;
	s8 =	simm.s32 @!p0 $0x1BF5;
	p2 =	por !p2, p0  }
0x20: {  	[sflag:s8] =	ssyncset.s32 @!p0 $0xFFFFF086;
	s6 =	sadd.s32 @!p0 s3, s7;
	s7 =	simm.s32 @!p0 $0x108  }
0x21: {  	s3 =	sadd.s32 s3, s9;
	s6 =	sadd.s32 @!p0 $0x88, s6;
	s7 =	simm.s32 @p2 $0x1082  }
0x22: {  	[simem:s7], [sflag:s8] =	dma.local @!p0 [hbm:s6], $0xF7A  }
0x23: {  	s9 =	sor.u32 $0xD0000000, s2;
	s6 =	simm.s32 $0x108;
	_ =	swait.ge @!p0 [sflag:s8], $0x0  }
0x24: {  	s3 =	sadd.s32 $0x88, s3;
	s6 =	simm.s32 @!p1 $0x1082;
	[sflag:s4] =	ssyncset.s32 $0xFFFFF086  }
0x25: {  	[simem:s6], [sflag:s4] =	dma.local [hbm:s3], $0xF7A  }
0x26: {  	[smem:$0x3F9F] =	sst s1;
	(tag) =	ssettag s2;
	_ =	strace s9  }
0x27: {  	s1 =	sld [smem:$0x3FAF]  }
0x28: {  	s2 =	sld [smem:$0x3FB0]  }
0x29: {  	s4 =	sld [smem:$0x3FB2]  }
0x2a: {  	p0 =	seq.s32 s5, $0x0;
	s5 =	sld [smem:$0x3FB3]  }
0x2b: {  	s6 =	sld [smem:$0x3FB4]  }
0x2c: {  	s7 =	sld [smem:$0x3FB5]  }
0x2d: {  	s3 =	simm.s32 $0x108;
	s8 =	sld [smem:$0x3FB6]  }
0x2e: {  	s3 =	simm.s32 @!p0 $0x1082;
	s9 =	sld [smem:$0x3FB7]  }
0x2f: {  	lr =	sadd.s32 s0, s3;
	s0 =	sld [smem:$0x3FAE]  }
0x30: {  	s3 =	sld [smem:$0x3FB1]  }
0x31: {  	[smem:$0x3FBA] =	sst s10  }
0x32: {  	s10 =	sld [smem:$0x3FB8];
	_ =	sdelay $0x3  }
0x33: {  	p0 =	seq.s32 s10, $0x1;
	s10 =	sld [smem:$0x3FBA];
	_ =	sdelay $0x3  }
0x34: {  	[smem:$0x3FBA] =	sst s10  }
0x35: {  	s10 =	sld [smem:$0x3FB9];
	_ =	sdelay $0x3  }
0x36: {  	p1 =	seq.s32 s10, $0x1;
	s10 =	sld [smem:$0x3FBA];
	_ =	sdelay $0x3  }
0x37: {  	[smem:$0x3FBA] =	sst s10  }
0x38: {  	s10 =	sld [smem:$0x3FBB]  }
0x39: {  	_ = 	snop;
	(pc) =	sbr.ind lr, $3  }
0x3a: {  	_ = 	snop  }
0x3b: {  	_ = 	snop  }
0x3c: {  	p2 =	seq.s32 s10, $0x1;
	s10 =	sld [smem:$0x3FBA]  }
0x3d: {  	_ =	shalt  }
0x3e: {  	_ =	shalt  }
0x3f: {  	_ =	shalt  }
0x40: {  	_ =	shalt  }
0x41: {  	_ =	shalt  }
0x42: {  	_ =	shalt  }
0x43: {  	_ =	shalt  }
0x44: {  	_ =	shalt  }
0x45: {  	_ =	shalt  }
0x46: {  	_ =	shalt  }
0x47: {  	_ =	shalt  }
0x48: {  	_ =	shalt  }
0x49: {  	_ =	shalt  }
0x4a: {  	_ =	shalt  }
0x4b: {  	_ =	shalt  }
0x4c: {  	_ =	shalt  }
0x4d: {  	_ =	shalt  }
0x4e: {  	_ =	shalt  }
0x4f: {  	_ =	shalt  }
0x50: {  	_ =	shalt  }
0x51: {  	_ =	shalt  }
0x52: {  	_ =	shalt  }
0x53: {  	_ =	shalt  }
0x54: {  	_ =	shalt  }
0x55: {  	_ =	shalt  }
0x56: {  	_ =	shalt  }
0x57: {  	_ =	shalt  }
0x58: {  	_ =	shalt  }
0x59: {  	_ =	shalt  }
0x5a: {  	_ =	shalt  }
0x5b: {  	_ =	shalt  }
0x5c: {  	_ =	shalt  }
0x5d: {  	_ =	shalt  }
0x5e: {  	_ =	shalt  }
0x5f: {  	_ =	shalt  }
0x60: {  	_ =	shalt  }
0x61: {  	_ =	shalt  }
0x62: {  	_ =	shalt  }
0x63: {  	_ =	shalt  }
0x64: {  	_ =	shalt  }
0x65: {  	_ =	shalt  }
0x66: {  	_ =	shalt  }
0x67: {  	_ =	shalt  }
0x68: {  	_ =	shalt  }
0x69: {  	_ =	shalt  }
0x6a: {  	_ =	shalt  }
0x6b: {  	_ =	shalt  }
0x6c: {  	_ =	shalt  }
0x6d: {  	_ =	shalt  }
0x6e: {  	_ =	shalt  }
0x6f: {  	_ =	shalt  }
0x70: {  	_ =	shalt  }
0x71: {  	_ =	shalt  }
0x72: {  	_ =	shalt  }
0x73: {  	_ =	shalt  }
0x74: {  	_ =	shalt  }
0x75: {  	_ =	shalt  }
0x76: {  	_ =	shalt  }
0x77: {  	_ =	shalt  }
0x78: {  	_ =	shalt  }
0x79: {  	_ =	shalt  }
0x7a: {  	_ =	shalt  }
0x7b: {  	_ =	shalt  }
0x7c: {  	_ =	shalt  }
0x7d: {  	_ =	shalt  }
0x7e: {  	_ =	shalt  }
0x7f: {  	_ =	shalt  }
0x80: {  	_ =	shalt  }
0x81: {  	_ =	shalt  }
0x82: {  	_ =	shalt  }
0x83: {  	_ =	shalt  }
0x84: {  	_ =	shalt  }
0x85: {  	_ =	shalt  }
0x86: {  	_ =	shalt  }
0x87: {  	_ =	shalt  }
.Lfunc_end0:
.L_simem_size_0:
called_computation_lowered:
.L_overlay_start_0:
0x88: {  	s2 =	sld [smem:$0x3FD9]  }
0x89: {  	s3 =	sld [smem:$0x3FFE];
	_ =	sdelay $0x1  }
0x8a: {  	s1 =	srdreg.scid  }
0x8b: {  	s0 =	sand.u32 $0x1, s1  }
0x8c: {  	s17 =	sshll.u32 s0, $0xA;
	s2 =	sadd.s32 s3, s2  }
0x8d: {  	s2 =	sadd.s32 s2, s17  }
0x8e: {  	[smem:$0x3FC6] =	sst s2  }
0x8f: {  	_ = 	snop  }
0x90: {  	s2 =	sld [smem:$0x3FC8]  }
0x91: {  	s18 =	sld [smem:$0x3FD0];
	(tm) =	ssettm $0x1  }
0x92: {  	s4 =	sld [smem:$0x3FFB];
	_ =	sdelay $0x3  }
0x93: {  	_ =	strace s4  }
0x94: {  	s4 =	sld [smem:$0x3FFC];
	_ =	sdelay $0x3  }
0x95: {  	_ =	strace s4  }
0x96: {  	s4 =	sld [smem:$0x3FFD];
	_ =	sdelay $0x3  }
0x97: {  	_ =	strace s4  }
0x98: {  	_ =	strace $0x8FFFFFFF  }
0x99: {  	s19 =	sld [smem:$0x3FDB];
	_ =	sdelay $0x1  }
0x9a: {  	s5 =	simm.s32 $_scs_section_size  }
0x9b: {  	s6 =	simm.s32 $_size__tile_overlayer_lowered;
	s7 =	simm.s32 $_tile_overlayer_lowered  }
0x9c: {  	s22 =	simm.s32 $0x1BFF;
	s21 =	sshll.u32 s7, $0x1;
	s4 =	sadd.s32 s5, s19  }
0x9d: {  	s8 =	simm.s32 $0x0;
	s20 =	sshll.u32 s6, $0x1;
	s6 =	sadd.s32 s21, s4  }
0x9e: {  	[timem:s8], [sflag:s22] =	dma.local [hbm:s6], s20  }
0x9f: {  	_ =	swait.ge [sflag:s22], s20  }
0xa0: {  	s5 =	ssub.s32 $0x0, s20;
	[sflag:s22] =	ssyncset.done $0x0  }
0xa1: {  	[sflag:s22] =	ssyncadd.s32 s5;
	_ =	sdelay $0x1  }
0xa2: {  	s23 =	simm.s32 $0x1B8B  }
0xa3: {  	_ =	swait.ge [sflag:s23], $0x1  }
0xa4: {  	[sflag:s23] =	ssyncset.done $0x0  }
0xa5: {  	s25 =	simm.s32 $0x1B8E;
	s24 =	sld [smem:$0x3FFE];
	[sflag:s23] =	ssyncadd.s32 $0xFFFFFFFF  }
0xa6: {  	s26 =	simm.s32 $execute0_lowered;
	[smem:$0x3FD2] =	sst s25  }
0xa7: {  	s6 =	sshll.u32 s26, $0x1;
	_ =	strace $0x80000046;
	[dreg:$0x1] =	wrdreg $0xFFFFFFFF  }
0xa8: {  	s28 =	simm.s32 $_size_execute0_lowered;
	s4 =	sadd.s32 s4, s6;
	[dreg:$0x0] =	wrdreg $0x0  }
0xa9: {  	s6 =	sshll.u32 s28, $0x1;
	[dreg:$0x2] =	wrdreg s4  }
0xaa: {  	[dreg:$0x3] =	wrdreg s6  }
0xab: {  	[dreg:$0x4] =	wrdreg $0xC0  }
0xac: {  	_ =	task [dreg:s8], $0x5FFFF  }
0xad: {  	[dreg:$0x1] =	wrdreg $0xFFFFFFFF  }
0xae: {  	[dreg:$0x0] =	wrdreg $0x60  }
0xaf: {  	[dreg:$0x2] =	wrdreg s18  }
0xb0: {  	[dreg:$0x3] =	wrdreg s2  }
0xb1: {  	[dreg:$0x4] =	wrdreg s24  }
0xb2: {  	[dreg:$0x5] =	wrdreg $0x9  }
0xb3: {  	_ =	task.clear_ibuf [dreg:s8], $0x6FFFF;
	_ =	strace $0x90000046  }
0xb4: {  	s29 =	simm.s32 $0x9;
	_ =	strace $0x80000048  }
0xb5: {  	_ =	swait.ge [sflag:s29], $0x1  }
0xb6: {  	[sflag:s29] =	ssyncadd.s32 $0xFFFFFFFF  }
0xb7: {  	_ =	strace $0x90000048  }
0xb8: {  	_ =	sfence  }
0xb9: {  	s30 =	sld [smem:$0x0];
	_ =	sdelay $0x2  }
0xba: {  	s31 =	sshll.u32 s1, $0xD;
	s1 =	sshrl.u32 s1, $0x2  }
0xbb: {  	s3 =	sand.u32 $0x4000, s31;
	s1 =	sadd.s32 s1, s30  }
0xbc: {  	s0 =	sor.u32 s3, s0;
	s1 =	sshll.u32 s1, $0x11  }
0xbd: {  	s0 =	sor.u32 s1, s0  }
0xbe: {  	s0 =	sadd.s32 $0x8F2B, s0  }
0xbf: {  	[sflag:s0] =	ssyncadd.remote.s32 $0x1  }
0xc0: {  	_ =	sfence.sel $0xFFFF  }
0xc1: {  	[dreg:$0x0] =	wrdreg $0xFFFFFFFF;
	(pc) =	sbr.abs _section_cstart, $3  }
0xc2: {  	[dreg:$0x1] =	wrdreg $0xFFFFFFFF  }
0xc3: {  	_ =	task.clear_ibuf [dreg:s8], $0x2FFFF;
	_ =	strace $0x9FFFFFFF  }
0xc4: {  	(tm) =	ssettm $0x7FFFFFFF  }
0xc5: {  	_ =	shalt  }
tec
execute0_lowered:
.L_overlay_start_1:
0x0: {  	(tag) =	ssettag $0x1  }
0x1: {  	s0 =	rddreg [dreg:$0x0]  }
0x2: {  	s2 =	rddreg [dreg:$0x1];
	s1 =	srdreg.scid  }
0x3: {  	s10 =	stileid.u32;
	s4 =	rddreg [dreg:$0x2];
	s3 =	simm.s32 $0x0  }
0x4: {  	s11 =	simm.s32 $0x1C00;
	s15 =	simm.s32 $0xFC00;
	s29 =	simm.s32 $0x15C00  }
0x5: {  	s30 =	simm.s32 $0x16400;
	s31 =	simm.s32 $0x16C00;
	s12 =	simm.s32 $0x19C00  }
0x6: {  	s13 =	simm.s32 $0x1A400;
	s14 =	simm.s32 $0x1AC00;
	s16 =	simm.s32 $0x1B400  }
0x7: {  	s17 =	simm.s32 $0x1BC00;
	s18 =	simm.s32 $0x1C400;
	s19 =	simm.s32 $0x1CC00  }
0x8: {  	s20 =	simm.s32 $0x1D400;
	s21 =	simm.s32 $0x1;
	s22 =	simm.s32 $0x2  }
0x9: {  	s24 =	simm.s32 $0x0;
	s1 =	sand.u32 $0x1, s1;
	s7 =	smul.u32 $0x700000, s10  }
0xa: {  	s5 =	sshll.u32 s10, $0x1;
	[smem:$0x7FF] =	sst s3;
	s28 =	smul.u32 $0xE0000, s10  }
0xb: {  	s4 =	sadd.s32 $0x400, s4;
	s5 =	sor.u32 s1, s5;
	s9 =	smul.u32 $0x380000, s1  }
0xc: {  	s10 =	simm.s32 $0x19400;
	s6 =	ssub.s32 $0x2, s1;
	s5 =	smul.u32 $0x380, s5  }
0xd: {  	_ =	strace $0x80000047;
	s1 =	smul.u32 $0x70000, s1;
	s8 =	sshrl.u32 s6, $0x1  }
0xe: {  	s6 =	ssub.s32 s6, s8;
	s26 =	sadd.s32 s9, s7;
	s0 =	sadd.s32 s0, s5  }
0xf: {  	s5 =	sadd.s32 $0x100, s2;
	s25 =	smax.u32 s6, $0x1;
	s7 =	sor.u32 $0x7000, s26  }
.Ltmp0:
0x10: {  	s6 =	sadd.s32 s28, s4;
	[dreg:$0x4] =	wrdreg s0;
	(pc) =	sbr.rel .LBB2_1-.Ltmp0, $4  }
0x11: {  	[dreg:$0x5] =	wrdreg s25;
	s0 =	sor.u32 $0x15000, s26;
	s7 =	sshrl.u32 s7, $0x3  }
0x12: {  	v2 =	vlaneseq.u32;
	s8 =	sadd.s32 s1, s6;
	s25 =	simm.s32 $0x8C00;
	s1 =	simm.s32 $0x17400  }
0x13: {  	vm0 =	vmmov $0xffff;
	v1 =	vshrl.u32 v2, $0x3;
	s6 =	simm.s32 $0x18C00;
	s0 =	sshrl.u32 s0, $0x3;
	s7 =	sadd.s32 s7, s4  }
0x14: {  	v0 =	vand.u32 $0x7, v2;
	v2 =	vor.u32 $0x8, v2;
	v1 =	vmul.u32 $0x8, v1;
	s9 =	sadd.s32 s0, s4;
	s0 =	simm.s32 $0x17C00;
	s4 =	simm.s32 $0x18400  }
.LBB2_6:
0x15: {  	s24 =	rddreg [dreg:$0x6]  }
0x16: {  	s23 =	rddreg [dreg:$0x5];
	s24 =	sadd.s32 $0x1, s24  }
0x17: {  	p0 =	sne.s32 s24, s23  }
.Ltmp1:
0x18: {  	_ = 	snop;
	(pc) =	sbr.rel @!p0 .LBB2_7-.Ltmp1, $1  }
0x19: {  	_ =	sdelay $0x3  }
.LBB2_1:
0x1a: {  	[dreg:$0x6] =	wrdreg s24  }
0x1b: {  	s23 =	rddreg [dreg:$0x4];
	s26 =	simm.s32 $0x3  }
0x1c: {  	[tilespmem:s3], [sflag:$0x3] =	stream.linear.gather [hbm4b:s23+s3], $0x1C00, $0x38;
	[tilespmem:$0x1DC00] =	vst v63  }
0x1d: {  	_ =	swait.ge [sflag:s26], $0x1C00  }
0x1e: {  	[sflag:s26] =	ssyncset.done $0x0  }
0x1f: {  	[sflag:s26] =	ssyncadd.s32 $0xFFFFE400  }
0x20: {  	v3 =	vld [tilespmem:$0x0];
	_ =	sdelay $0x4  }
0x21: {  	v4 =	vshll.u32 v3, $0x2  }
0x22: {  	v3 =	vand.u32 $0x7, v3;
	v4 =	vand.u32 $0xFFFFFFE0, v4  }
0x23: {  	v3 =	vor.u32 v3, v4  }
0x24: {  	v4 =	vperm.xlane v3, v0;
	_ =	sdelay $0x1  }
0x25: {  	v4 =	vadd.s32 v1, v4;
	_ =	sdelay $0x1  }
0x26: {  	v3 =	vperm.xlane v3, v2;
	_ =	sdelay $0x1  }
0x27: {  	v3 =	vadd.s32 v1, v3  }
0x28: {  	[tilespmem:s11], [sflag:$0x1] =	stream.indirect_vreg.gather [hbm4b:s2+s3], $0x80, v4, vm0, $0xb8;
	[tilespmem:$0x1DC00] =	vst v63  }
0x29: {  	s28 =	simm.s32 $0x2400  }
0x2a: {  	[tilespmem:s28], [sflag:$0x1] =	stream.indirect_vreg.gather [hbm4b:s5+s3], $0x80, v4, vm0, $0xb8;
	[tilespmem:$0x1DC00] =	vst v63  }
0x2b: {  	s24 =	simm.s32 $0x2C00  }
0x2c: {  	[tilespmem:s24], [sflag:$0x1] =	stream.indirect_vreg.gather [hbm4b:s2+s3], $0x80, v3, vm0, $0xb8;
	[tilespmem:$0x1DC00] =	vst v63  }
0x2d: {  	s26 =	simm.s32 $0x3400  }
0x2e: {  	[tilespmem:s26], [sflag:$0x1] =	stream.indirect_vreg.gather [hbm4b:s5+s3], $0x80, v3, vm0, $0xb8;
	[tilespmem:$0x1DC00] =	vst v63  }
0x2f: {  	v3 =	vld [tilespmem:$0x10];
	_ =	sdelay $0x4  }
0x30: {  	v51 =	vshll.u32 v3, $0x2  }
0x31: {  	v3 =	vand.u32 $0x7, v3;
	v4 =	vand.u32 $0xFFFFFFE0, v51  }
0x32: {  	v3 =	vor.u32 v3, v4  }
0x33: {  	v4 =	vperm.xlane v3, v0;
	_ =	sdelay $0x1  }
0x34: {  	v4 =	vadd.s32 v1, v4;
	_ =	sdelay $0x1  }
0x35: {  	v3 =	vperm.xlane v3, v2;
	_ =	sdelay $0x1  }
0x36: {  	s28 =	simm.s32 $0x3C00;
	v3 =	vadd.s32 v1, v3  }
0x37: {  	[tilespmem:s28], [sflag:$0x1] =	stream.indirect_vreg.gather [hbm4b:s2+s3], $0x80, v4, vm0, $0xb8;
	[tilespmem:$0x1DC00] =	vst v63  }
0x38: {  	s24 =	simm.s32 $0x4400  }
0x39: {  	[tilespmem:s24], [sflag:$0x1] =	stream.indirect_vreg.gather [hbm4b:s5+s3], $0x80, v4, vm0, $0xb8;
	[tilespmem:$0x1DC00] =	vst v63  }
0x3a: {  	s26 =	simm.s32 $0x4C00  }
0x3b: {  	[tilespmem:s26], [sflag:$0x1] =	stream.indirect_vreg.gather [hbm4b:s2+s3], $0x80, v3, vm0, $0xb8;
	[tilespmem:$0x1DC00] =	vst v63  }
0x3c: {  	s28 =	simm.s32 $0x5400  }
0x3d: {  	[tilespmem:s28], [sflag:$0x1] =	stream.indirect_vreg.gather [hbm4b:s5+s3], $0x80, v3, vm0, $0xb8;
	[tilespmem:$0x1DC00] =	vst v63  }
0x3e: {  	v3 =	vld [tilespmem:$0x20];
	_ =	sdelay $0x4  }
0x3f: {  	v52 =	vshll.u32 v3, $0x2  }
0x40: {  	v3 =	vand.u32 $0x7, v3;
	v4 =	vand.u32 $0xFFFFFFE0, v52  }
0x41: {  	v3 =	vor.u32 v3, v4  }
0x42: {  	v4 =	vperm.xlane v3, v0;
	_ =	sdelay $0x1  }
0x43: {  	v4 =	vadd.s32 v1, v4;
	_ =	sdelay $0x1  }
0x44: {  	v3 =	vperm.xlane v3, v2;
	_ =	sdelay $0x1  }
0x45: {  	s24 =	simm.s32 $0x5C00;
	v3 =	vadd.s32 v1, v3  }
0x46: {  	[tilespmem:s24], [sflag:$0x1] =	stream.indirect_vreg.gather [hbm4b:s2+s3], $0x80, v4, vm0, $0xb8;
	[tilespmem:$0x1DC00] =	vst v63  }
0x47: {  	s26 =	simm.s32 $0x6400  }
0x48: {  	[tilespmem:s26], [sflag:$0x1] =	stream.indirect_vreg.gather [hbm4b:s5+s3], $0x80, v4, vm0, $0xb8;
	[tilespmem:$0x1DC00] =	vst v63  }
0x49: {  	s28 =	simm.s32 $0x6C00  }
0x4a: {  	[tilespmem:s28], [sflag:$0x1] =	stream.indirect_vreg.gather [hbm4b:s2+s3], $0x80, v3, vm0, $0xb8;
	[tilespmem:$0x1DC00] =	vst v63  }
0x4b: {  	s24 =	simm.s32 $0x7400  }
0x4c: {  	[tilespmem:s24], [sflag:$0x1] =	stream.indirect_vreg.gather [hbm4b:s5+s3], $0x80, v3, vm0, $0xb8;
	[tilespmem:$0x1DC00] =	vst v63  }
0x4d: {  	v3 =	vld [tilespmem:$0x30];
	_ =	sdelay $0x4  }
0x4e: {  	v53 =	vshll.u32 v3, $0x2  }
0x4f: {  	v3 =	vand.u32 $0x7, v3;
	v4 =	vand.u32 $0xFFFFFFE0, v53  }
0x50: {  	v3 =	vor.u32 v3, v4  }
0x51: {  	v4 =	vperm.xlane v3, v0;
	_ =	sdelay $0x1  }
0x52: {  	v4 =	vadd.s32 v1, v4;
	_ =	sdelay $0x1  }
0x53: {  	v3 =	vperm.xlane v3, v2;
	_ =	sdelay $0x1  }
0x54: {  	s26 =	simm.s32 $0x7C00;
	v3 =	vadd.s32 v1, v3  }
0x55: {  	[tilespmem:s26], [sflag:$0x1] =	stream.indirect_vreg.gather [hbm4b:s2+s3], $0x80, v4, vm0, $0xb8;
	[tilespmem:$0x1DC00] =	vst v63  }
0x56: {  	s28 =	simm.s32 $0x8400  }
0x57: {  	[tilespmem:s28], [sflag:$0x1] =	stream.indirect_vreg.gather [hbm4b:s5+s3], $0x80, v4, vm0, $0xb8;
	[tilespmem:$0x1DC00] =	vst v63  }
0x58: {  	_ = 	snop  }
0x59: {  	[tilespmem:s25], [sflag:$0x1] =	stream.indirect_vreg.gather [hbm4b:s2+s3], $0x80, v3, vm0, $0xb8;
	[tilespmem:$0x1DC00] =	vst v63  }
0x5a: {  	s24 =	simm.s32 $0x9400  }
0x5b: {  	[tilespmem:s24], [sflag:$0x1] =	stream.indirect_vreg.gather [hbm4b:s5+s3], $0x80, v3, vm0, $0xb8;
	[tilespmem:$0x1DC00] =	vst v63  }
0x5c: {  	v3 =	vld [tilespmem:$0x40];
	_ =	sdelay $0x4  }
0x5d: {  	v54 =	vshll.u32 v3, $0x2  }
0x5e: {  	v3 =	vand.u32 $0x7, v3;
	v4 =	vand.u32 $0xFFFFFFE0, v54  }
0x5f: {  	v3 =	vor.u32 v3, v4  }
0x60: {  	v4 =	vperm.xlane v3, v0;
	_ =	sdelay $0x1  }
0x61: {  	v4 =	vadd.s32 v1, v4;
	_ =	sdelay $0x1  }
0x62: {  	v3 =	vperm.xlane v3, v2;
	_ =	sdelay $0x1  }
0x63: {  	s26 =	simm.s32 $0x9C00;
	v3 =	vadd.s32 v1, v3  }
0x64: {  	[tilespmem:s26], [sflag:$0x1] =	stream.indirect_vreg.gather [hbm4b:s2+s3], $0x80, v4, vm0, $0xb8;
	[tilespmem:$0x1DC00] =	vst v63  }
0x65: {  	s28 =	simm.s32 $0xA400  }
0x66: {  	[tilespmem:s28], [sflag:$0x1] =	stream.indirect_vreg.gather [hbm4b:s5+s3], $0x80, v4, vm0, $0xb8;
	[tilespmem:$0x1DC00] =	vst v63  }
0x67: {  	s24 =	simm.s32 $0xAC00  }
0x68: {  	[tilespmem:s24], [sflag:$0x1] =	stream.indirect_vreg.gather [hbm4b:s2+s3], $0x80, v3, vm0, $0xb8;
	[tilespmem:$0x1DC00] =	vst v63  }
0x69: {  	s26 =	simm.s32 $0xB400  }
0x6a: {  	[tilespmem:s26], [sflag:$0x1] =	stream.indirect_vreg.gather [hbm4b:s5+s3], $0x80, v3, vm0, $0xb8;
	[tilespmem:$0x1DC00] =	vst v63  }
0x6b: {  	v3 =	vld [tilespmem:$0x50];
	_ =	sdelay $0x4  }
0x6c: {  	v55 =	vshll.u32 v3, $0x2  }
0x6d: {  	v3 =	vand.u32 $0x7, v3;
	v4 =	vand.u32 $0xFFFFFFE0, v55  }
0x6e: {  	v3 =	vor.u32 v3, v4  }
0x6f: {  	v4 =	vperm.xlane v3, v0;
	_ =	sdelay $0x1  }
0x70: {  	v4 =	vadd.s32 v1, v4;
	_ =	sdelay $0x1  }
0x71: {  	v3 =	vperm.xlane v3, v2;
	_ =	sdelay $0x1  }
0x72: {  	s28 =	simm.s32 $0xBC00;
	v3 =	vadd.s32 v1, v3  }
0x73: {  	[tilespmem:s28], [sflag:$0x1] =	stream.indirect_vreg.gather [hbm4b:s2+s3], $0x80, v4, vm0, $0xb8;
	[tilespmem:$0x1DC00] =	vst v63  }
0x74: {  	s24 =	simm.s32 $0xC400  }
0x75: {  	[tilespmem:s24], [sflag:$0x1] =	stream.indirect_vreg.gather [hbm4b:s5+s3], $0x80, v4, vm0, $0xb8;
	[tilespmem:$0x1DC00] =	vst v63  }
0x76: {  	s26 =	simm.s32 $0xCC00  }
0x77: {  	[tilespmem:s26], [sflag:$0x1] =	stream.indirect_vreg.gather [hbm4b:s2+s3], $0x80, v3, vm0, $0xb8;
	[tilespmem:$0x1DC00] =	vst v63  }
0x78: {  	s28 =	simm.s32 $0xD400  }
0x79: {  	[tilespmem:s28], [sflag:$0x1] =	stream.indirect_vreg.gather [hbm4b:s5+s3], $0x80, v3, vm0, $0xb8;
	[tilespmem:$0x1DC00] =	vst v63  }
0x7a: {  	v3 =	vld [tilespmem:$0x60];
	_ =	sdelay $0x4  }
0x7b: {  	v56 =	vshll.u32 v3, $0x2  }
0x7c: {  	v3 =	vand.u32 $0x7, v3;
	v4 =	vand.u32 $0xFFFFFFE0, v56  }
0x7d: {  	v3 =	vor.u32 v3, v4  }
0x7e: {  	v4 =	vperm.xlane v3, v0;
	_ =	sdelay $0x1  }
0x7f: {  	v4 =	vadd.s32 v1, v4;
	_ =	sdelay $0x1  }
0x80: {  	v3 =	vperm.xlane v3, v2;
	_ =	sdelay $0x1  }
0x81: {  	s24 =	simm.s32 $0xDC00;
	v3 =	vadd.s32 v1, v3  }
0x82: {  	[tilespmem:s24], [sflag:$0x1] =	stream.indirect_vreg.gather [hbm4b:s2+s3], $0x80, v4, vm0, $0xb8;
	[tilespmem:$0x1DC00] =	vst v63  }
0x83: {  	s26 =	simm.s32 $0xE400  }
0x84: {  	[tilespmem:s26], [sflag:$0x1] =	stream.indirect_vreg.gather [hbm4b:s5+s3], $0x80, v4, vm0, $0xb8;
	[tilespmem:$0x1DC00] =	vst v63  }
0x85: {  	s28 =	simm.s32 $0xEC00  }
0x86: {  	[tilespmem:s28], [sflag:$0x1] =	stream.indirect_vreg.gather [hbm4b:s2+s3], $0x80, v3, vm0, $0xb8;
	[tilespmem:$0x1DC00] =	vst v63  }
0x87: {  	s24 =	simm.s32 $0xF400  }
0x88: {  	[tilespmem:s24], [sflag:$0x1] =	stream.indirect_vreg.gather [hbm4b:s5+s3], $0x80, v3, vm0, $0xb8;
	[tilespmem:$0x1DC00] =	vst v63  }
0x89: {  	v3 =	vld [tilespmem:$0x70];
	_ =	sdelay $0x4  }
0x8a: {  	v57 =	vshll.u32 v3, $0x2  }
0x8b: {  	v3 =	vand.u32 $0x7, v3;
	v4 =	vand.u32 $0xFFFFFFE0, v57  }
0x8c: {  	v3 =	vor.u32 v3, v4  }
0x8d: {  	v4 =	vperm.xlane v3, v0;
	_ =	sdelay $0x1  }
0x8e: {  	v4 =	vadd.s32 v1, v4;
	_ =	sdelay $0x1  }
0x8f: {  	v3 =	vperm.xlane v3, v2;
	_ =	sdelay $0x1  }
0x90: {  	v3 =	vadd.s32 v1, v3  }
0x91: {  	[tilespmem:s15], [sflag:$0x2] =	stream.indirect_vreg.gather [hbm4b:s2+s3], $0x80, v4, vm0, $0xb8;
	[tilespmem:$0x1DC00] =	vst v63  }
0x92: {  	s26 =	simm.s32 $0x10400  }
0x93: {  	[tilespmem:s26], [sflag:$0x2] =	stream.indirect_vreg.gather [hbm4b:s5+s3], $0x80, v4, vm0, $0xb8;
	[tilespmem:$0x1DC00] =	vst v63  }
0x94: {  	s28 =	simm.s32 $0x10C00  }
0x95: {  	[tilespmem:s28], [sflag:$0x2] =	stream.indirect_vreg.gather [hbm4b:s2+s3], $0x80, v3, vm0, $0xb8;
	[tilespmem:$0x1DC00] =	vst v63  }
0x96: {  	s24 =	simm.s32 $0x11400  }
0x97: {  	[tilespmem:s24], [sflag:$0x2] =	stream.indirect_vreg.gather [hbm4b:s5+s3], $0x80, v3, vm0, $0xb8;
	[tilespmem:$0x1DC00] =	vst v63  }
0x98: {  	v3 =	vld [tilespmem:$0x80];
	_ =	sdelay $0x4  }
0x99: {  	v58 =	vshll.u32 v3, $0x2  }
0x9a: {  	v3 =	vand.u32 $0x7, v3;
	v4 =	vand.u32 $0xFFFFFFE0, v58  }
0x9b: {  	v3 =	vor.u32 v3, v4  }
0x9c: {  	v4 =	vperm.xlane v3, v0;
	_ =	sdelay $0x1  }
0x9d: {  	v4 =	vadd.s32 v1, v4;
	_ =	sdelay $0x1  }
0x9e: {  	v3 =	vperm.xlane v3, v2;
	_ =	sdelay $0x1  }
0x9f: {  	s26 =	simm.s32 $0x11C00;
	v3 =	vadd.s32 v1, v3  }
0xa0: {  	[tilespmem:s26], [sflag:$0x2] =	stream.indirect_vreg.gather [hbm4b:s2+s3], $0x80, v4, vm0, $0xb8;
	[tilespmem:$0x1DC00] =	vst v63  }
0xa1: {  	s28 =	simm.s32 $0x12400  }
0xa2: {  	[tilespmem:s28], [sflag:$0x2] =	stream.indirect_vreg.gather [hbm4b:s5+s3], $0x80, v4, vm0, $0xb8;
	[tilespmem:$0x1DC00] =	vst v63  }
0xa3: {  	s24 =	simm.s32 $0x12C00  }
0xa4: {  	[tilespmem:s24], [sflag:$0x2] =	stream.indirect_vreg.gather [hbm4b:s2+s3], $0x80, v3, vm0, $0xb8;
	[tilespmem:$0x1DC00] =	vst v63  }
0xa5: {  	s26 =	simm.s32 $0x13400  }
0xa6: {  	[tilespmem:s26], [sflag:$0x2] =	stream.indirect_vreg.gather [hbm4b:s5+s3], $0x80, v3, vm0, $0xb8;
	[tilespmem:$0x1DC00] =	vst v63  }
0xa7: {  	v3 =	vld [tilespmem:$0x90];
	_ =	sdelay $0x4  }
0xa8: {  	v59 =	vshll.u32 v3, $0x2  }
0xa9: {  	v3 =	vand.u32 $0x7, v3;
	v4 =	vand.u32 $0xFFFFFFE0, v59  }
0xaa: {  	v3 =	vor.u32 v3, v4  }
0xab: {  	v4 =	vperm.xlane v3, v0;
	_ =	sdelay $0x1  }
0xac: {  	v4 =	vadd.s32 v1, v4;
	_ =	sdelay $0x1  }
0xad: {  	v3 =	vperm.xlane v3, v2;
	_ =	sdelay $0x1  }
0xae: {  	s28 =	simm.s32 $0x13C00;
	v3 =	vadd.s32 v1, v3  }
0xaf: {  	[tilespmem:s28], [sflag:$0x2] =	stream.indirect_vreg.gather [hbm4b:s2+s3], $0x80, v4, vm0, $0xb8;
	[tilespmem:$0x1DC00] =	vst v63  }
0xb0: {  	s24 =	simm.s32 $0x14400  }
0xb1: {  	[tilespmem:s24], [sflag:$0x2] =	stream.indirect_vreg.gather [hbm4b:s5+s3], $0x80, v4, vm0, $0xb8;
	[tilespmem:$0x1DC00] =	vst v63  }
0xb2: {  	s26 =	simm.s32 $0x14C00  }
0xb3: {  	[tilespmem:s26], [sflag:$0x2] =	stream.indirect_vreg.gather [hbm4b:s2+s3], $0x80, v3, vm0, $0xb8;
	[tilespmem:$0x1DC00] =	vst v63  }
0xb4: {  	s28 =	simm.s32 $0x15400  }
0xb5: {  	[tilespmem:s28], [sflag:$0x2] =	stream.indirect_vreg.gather [hbm4b:s5+s3], $0x80, v3, vm0, $0xb8;
	[tilespmem:$0x1DC00] =	vst v63  }
0xb6: {  	v3 =	vld [tilespmem:$0xA0];
	_ =	sdelay $0x4  }
0xb7: {  	v60 =	vshll.u32 v3, $0x2  }
0xb8: {  	v3 =	vand.u32 $0x7, v3;
	v4 =	vand.u32 $0xFFFFFFE0, v60  }
0xb9: {  	v3 =	vor.u32 v3, v4  }
0xba: {  	v4 =	vperm.xlane v3, v0;
	_ =	sdelay $0x1  }
0xbb: {  	v4 =	vadd.s32 v1, v4;
	_ =	sdelay $0x1  }
0xbc: {  	v3 =	vperm.xlane v3, v2;
	_ =	sdelay $0x1  }
0xbd: {  	v3 =	vadd.s32 v1, v3  }
0xbe: {  	[tilespmem:s29], [sflag:$0x2] =	stream.indirect_vreg.gather [hbm4b:s2+s3], $0x80, v4, vm0, $0xb8;
	[tilespmem:$0x1DC00] =	vst v63  }
0xbf: {  	_ = 	snop  }
0xc0: {  	[tilespmem:s30], [sflag:$0x2] =	stream.indirect_vreg.gather [hbm4b:s5+s3], $0x80, v4, vm0, $0xb8;
	[tilespmem:$0x1DC00] =	vst v63  }
0xc1: {  	_ = 	snop  }
0xc2: {  	[tilespmem:s31], [sflag:$0x2] =	stream.indirect_vreg.gather [hbm4b:s2+s3], $0x80, v3, vm0, $0xb8;
	[tilespmem:$0x1DC00] =	vst v63  }
0xc3: {  	_ = 	snop  }
0xc4: {  	[tilespmem:s1], [sflag:$0x2] =	stream.indirect_vreg.gather [hbm4b:s5+s3], $0x80, v3, vm0, $0xb8;
	[tilespmem:$0x1DC00] =	vst v63  }
0xc5: {  	v3 =	vld [tilespmem:$0xB0];
	_ =	sdelay $0x4  }
0xc6: {  	v61 =	vshll.u32 v3, $0x2  }
0xc7: {  	v3 =	vand.u32 $0x7, v3;
	v4 =	vand.u32 $0xFFFFFFE0, v61  }
0xc8: {  	v3 =	vor.u32 v3, v4  }
0xc9: {  	v4 =	vperm.xlane v3, v0;
	_ =	sdelay $0x1  }
0xca: {  	v4 =	vadd.s32 v1, v4;
	_ =	sdelay $0x1  }
0xcb: {  	v3 =	vperm.xlane v3, v2;
	_ =	sdelay $0x1  }
0xcc: {  	v3 =	vadd.s32 v1, v3  }
0xcd: {  	[tilespmem:s0], [sflag:$0x2] =	stream.indirect_vreg.gather [hbm4b:s2+s3], $0x80, v4, vm0, $0xb8;
	[tilespmem:$0x1DC00] =	vst v63  }
0xce: {  	_ = 	snop  }
0xcf: {  	[tilespmem:s4], [sflag:$0x2] =	stream.indirect_vreg.gather [hbm4b:s5+s3], $0x80, v4, vm0, $0xb8;
	[tilespmem:$0x1DC00] =	vst v63  }
0xd0: {  	_ = 	snop  }
0xd1: {  	[tilespmem:s6], [sflag:$0x2] =	stream.indirect_vreg.gather [hbm4b:s2+s3], $0x80, v3, vm0, $0xb8;
	[tilespmem:$0x1DC00] =	vst v63  }
0xd2: {  	_ = 	snop  }
0xd3: {  	[tilespmem:s10], [sflag:$0x2] =	stream.indirect_vreg.gather [hbm4b:s5+s3], $0x80, v3, vm0, $0xb8;
	[tilespmem:$0x1DC00] =	vst v63  }
0xd4: {  	v3 =	vld [tilespmem:$0xC0];
	_ =	sdelay $0x4  }
0xd5: {  	v62 =	vshll.u32 v3, $0x2  }
0xd6: {  	v3 =	vand.u32 $0x7, v3;
	v4 =	vand.u32 $0xFFFFFFE0, v62  }
0xd7: {  	v3 =	vor.u32 v3, v4  }
0xd8: {  	v4 =	vperm.xlane v3, v0;
	_ =	sdelay $0x1  }
0xd9: {  	v4 =	vadd.s32 v1, v4;
	_ =	sdelay $0x1  }
0xda: {  	v3 =	vperm.xlane v3, v2;
	_ =	sdelay $0x1  }
0xdb: {  	v3 =	vadd.s32 v1, v3  }
0xdc: {  	[tilespmem:s12], [sflag:$0x2] =	stream.indirect_vreg.gather [hbm4b:s2+s3], $0x80, v4, vm0, $0xb8;
	[tilespmem:$0x1DC00] =	vst v63  }
0xdd: {  	_ = 	snop  }
0xde: {  	[tilespmem:s13], [sflag:$0x2] =	stream.indirect_vreg.gather [hbm4b:s5+s3], $0x80, v4, vm0, $0xb8;
	[tilespmem:$0x1DC00] =	vst v63  }
0xdf: {  	_ = 	snop  }
0xe0: {  	[tilespmem:s14], [sflag:$0x2] =	stream.indirect_vreg.gather [hbm4b:s2+s3], $0x80, v3, vm0, $0xb8;
	[tilespmem:$0x1DC00] =	vst v63  }
0xe1: {  	_ = 	snop  }
0xe2: {  	[tilespmem:s16], [sflag:$0x2] =	stream.indirect_vreg.gather [hbm4b:s5+s3], $0x80, v3, vm0, $0xb8;
	[tilespmem:$0x1DC00] =	vst v63  }
0xe3: {  	v3 =	vld [tilespmem:$0xD0];
	_ =	sdelay $0x4  }
0xe4: {  	v63 =	vshll.u32 v3, $0x2  }
0xe5: {  	v3 =	vand.u32 $0x7, v3;
	v4 =	vand.u32 $0xFFFFFFE0, v63  }
0xe6: {  	v3 =	vor.u32 v3, v4  }
0xe7: {  	v4 =	vperm.xlane v3, v0;
	_ =	sdelay $0x1  }
0xe8: {  	v4 =	vadd.s32 v1, v4;
	_ =	sdelay $0x1  }
0xe9: {  	v3 =	vperm.xlane v3, v2;
	_ =	sdelay $0x1  }
0xea: {  	v3 =	vadd.s32 v1, v3  }
0xeb: {  	[tilespmem:s17], [sflag:$0x2] =	stream.indirect_vreg.gather [hbm4b:s2+s3], $0x80, v4, vm0, $0xb8;
	[tilespmem:$0x1DC00] =	vst v63  }
0xec: {  	_ = 	snop  }
0xed: {  	[tilespmem:s18], [sflag:$0x2] =	stream.indirect_vreg.gather [hbm4b:s5+s3], $0x80, v4, vm0, $0xb8;
	[tilespmem:$0x1DC00] =	vst v63  }
0xee: {  	_ = 	snop  }
0xef: {  	[tilespmem:s19], [sflag:$0x2] =	stream.indirect_vreg.gather [hbm4b:s2+s3], $0x80, v3, vm0, $0xb8;
	[tilespmem:$0x1DC00] =	vst v63  }
0xf0: {  	s23 =	simm.s32 $0x1B0;
	s24 =	simm.s32 $0x0  }
0xf1: {  	[tilespmem:s20], [sflag:$0x2] =	stream.indirect_vreg.gather [hbm4b:s5+s3], $0x80, v3, vm0, $0xb8;
	[tilespmem:$0x1DC00] =	vst v63  }
.LBB2_2:
0xf2: {  	_ =	swait.ge [sflag:s21], $0xE000  }
0xf3: {  	[sflag:s21] =	ssyncset.done $0x0  }
0xf4: {  	s26 =	sadd.s32 s24, s8;
	[sflag:s21] =	ssyncadd.s32 $0xFFFF2000  }
0xf5: {  	[hbm4b:s26+s3] =	stream.linear.scatter [tilespmem:s11], [sflag:$0x1], $0x7000, $0x38;
	[tilespmem:$0x1DC00] =	vst v63  }
0xf6: {  	s28 =	sadd.s32 s24, s7  }
0xf7: {  	[hbm4b:s28+s3] =	stream.linear.scatter [tilespmem:s25], [sflag:$0x1], $0x7000, $0x38;
	[tilespmem:$0x1DC00] =	vst v63  }
0xf8: {  	p0 =	seq.s32 s24, $0x6C800;
	_ =	swait.ge [sflag:s21], $0x7000  }
.Ltmp2:
0xf9: {  	[sflag:s21] =	ssyncset.done $0x0;
	(pc) =	sbr.rel @p0 .LBB2_4-.Ltmp2, $4  }
0xfa: {  	[sflag:s21] =	ssyncadd.s32 $0xFFFF9000  }
0xfb: {  	_ =	swait.ge [sflag:s21], $0x7000  }
0xfc: {  	[sflag:s21] =	ssyncset.done $0x0  }
0xfd: {  	[sflag:s21] =	ssyncadd.s32 $0xFFFF9000  }
0xfe: {  	v3 =	vld [tilespmem:s23+$0xFFFFFF30];
	_ =	sdelay $0x4  }
0xff: {  	v4 =	vshll.u32 v3, $0x2  }
0x100: {  	v3 =	vand.u32 $0x7, v3;
	v4 =	vand.u32 $0xFFFFFFE0, v4  }
0x101: {  	v3 =	vor.u32 v3, v4  }
0x102: {  	v4 =	vperm.xlane v3, v0;
	_ =	sdelay $0x1  }
0x103: {  	v4 =	vadd.s32 v1, v4;
	_ =	sdelay $0x1  }
0x104: {  	v3 =	vperm.xlane v3, v2;
	_ =	sdelay $0x1  }
0x105: {  	v3 =	vadd.s32 v1, v3  }
0x106: {  	[tilespmem:s11], [sflag:$0x1] =	stream.indirect_vreg.gather [hbm4b:s2+s3], $0x80, v4, vm0, $0xb8;
	[tilespmem:$0x1DC00] =	vst v63  }
0x107: {  	s28 =	simm.s32 $0x2400  }
0x108: {  	[tilespmem:s28], [sflag:$0x1] =	stream.indirect_vreg.gather [hbm4b:s5+s3], $0x80, v4, vm0, $0xb8;
	[tilespmem:$0x1DC00] =	vst v63  }
0x109: {  	s28 =	simm.s32 $0x2C00  }
0x10a: {  	[tilespmem:s28], [sflag:$0x1] =	stream.indirect_vreg.gather [hbm4b:s2+s3], $0x80, v3, vm0, $0xb8;
	[tilespmem:$0x1DC00] =	vst v63  }
0x10b: {  	s28 =	simm.s32 $0x3400  }
0x10c: {  	[tilespmem:s28], [sflag:$0x1] =	stream.indirect_vreg.gather [hbm4b:s5+s3], $0x80, v3, vm0, $0xb8;
	[tilespmem:$0x1DC00] =	vst v63  }
0x10d: {  	v3 =	vld [tilespmem:s23+$0xFFFFFF40];
	_ =	sdelay $0x4  }
0x10e: {  	v58 =	vshll.u32 v3, $0x2  }
0x10f: {  	v3 =	vand.u32 $0x7, v3;
	v4 =	vand.u32 $0xFFFFFFE0, v58  }
0x110: {  	v3 =	vor.u32 v3, v4  }
0x111: {  	v4 =	vperm.xlane v3, v0;
	_ =	sdelay $0x1  }
0x112: {  	v4 =	vadd.s32 v1, v4;
	_ =	sdelay $0x1  }
0x113: {  	v3 =	vperm.xlane v3, v2;
	_ =	sdelay $0x1  }
0x114: {  	s28 =	simm.s32 $0x3C00;
	v3 =	vadd.s32 v1, v3  }
0x115: {  	[tilespmem:s28], [sflag:$0x1] =	stream.indirect_vreg.gather [hbm4b:s2+s3], $0x80, v4, vm0, $0xb8;
	[tilespmem:$0x1DC00] =	vst v63  }
0x116: {  	s28 =	simm.s32 $0x4400  }
0x117: {  	[tilespmem:s28], [sflag:$0x1] =	stream.indirect_vreg.gather [hbm4b:s5+s3], $0x80, v4, vm0, $0xb8;
	[tilespmem:$0x1DC00] =	vst v63  }
0x118: {  	s28 =	simm.s32 $0x4C00  }
0x119: {  	[tilespmem:s28], [sflag:$0x1] =	stream.indirect_vreg.gather [hbm4b:s2+s3], $0x80, v3, vm0, $0xb8;
	[tilespmem:$0x1DC00] =	vst v63  }
0x11a: {  	s28 =	simm.s32 $0x5400  }
0x11b: {  	[tilespmem:s28], [sflag:$0x1] =	stream.indirect_vreg.gather [hbm4b:s5+s3], $0x80, v3, vm0, $0xb8;
	[tilespmem:$0x1DC00] =	vst v63  }
0x11c: {  	v3 =	vld [tilespmem:s23+$0xFFFFFF50];
	_ =	sdelay $0x4  }
0x11d: {  	v59 =	vshll.u32 v3, $0x2  }
0x11e: {  	v3 =	vand.u32 $0x7, v3;
	v4 =	vand.u32 $0xFFFFFFE0, v59  }
0x11f: {  	v3 =	vor.u32 v3, v4  }
0x120: {  	v4 =	vperm.xlane v3, v0;
	_ =	sdelay $0x1  }
0x121: {  	v4 =	vadd.s32 v1, v4;
	_ =	sdelay $0x1  }
0x122: {  	v3 =	vperm.xlane v3, v2;
	_ =	sdelay $0x1  }
0x123: {  	s28 =	simm.s32 $0x5C00;
	v3 =	vadd.s32 v1, v3  }
0x124: {  	[tilespmem:s28], [sflag:$0x1] =	stream.indirect_vreg.gather [hbm4b:s2+s3], $0x80, v4, vm0, $0xb8;
	[tilespmem:$0x1DC00] =	vst v63  }
0x125: {  	s28 =	simm.s32 $0x6400  }
0x126: {  	[tilespmem:s28], [sflag:$0x1] =	stream.indirect_vreg.gather [hbm4b:s5+s3], $0x80, v4, vm0, $0xb8;
	[tilespmem:$0x1DC00] =	vst v63  }
0x127: {  	s28 =	simm.s32 $0x6C00  }
0x128: {  	[tilespmem:s28], [sflag:$0x1] =	stream.indirect_vreg.gather [hbm4b:s2+s3], $0x80, v3, vm0, $0xb8;
	[tilespmem:$0x1DC00] =	vst v63  }
0x129: {  	s28 =	simm.s32 $0x7400  }
0x12a: {  	[tilespmem:s28], [sflag:$0x1] =	stream.indirect_vreg.gather [hbm4b:s5+s3], $0x80, v3, vm0, $0xb8;
	[tilespmem:$0x1DC00] =	vst v63  }
0x12b: {  	v3 =	vld [tilespmem:s23+$0xFFFFFF60];
	_ =	sdelay $0x4  }
0x12c: {  	v60 =	vshll.u32 v3, $0x2  }
0x12d: {  	v3 =	vand.u32 $0x7, v3;
	v4 =	vand.u32 $0xFFFFFFE0, v60  }
0x12e: {  	v3 =	vor.u32 v3, v4  }
0x12f: {  	v4 =	vperm.xlane v3, v0;
	_ =	sdelay $0x1  }
0x130: {  	v4 =	vadd.s32 v1, v4;
	_ =	sdelay $0x1  }
0x131: {  	v3 =	vperm.xlane v3, v2;
	_ =	sdelay $0x1  }
0x132: {  	s28 =	simm.s32 $0x7C00;
	v3 =	vadd.s32 v1, v3  }
0x133: {  	[tilespmem:s28], [sflag:$0x1] =	stream.indirect_vreg.gather [hbm4b:s2+s3], $0x80, v4, vm0, $0xb8;
	[tilespmem:$0x1DC00] =	vst v63  }
0x134: {  	s28 =	simm.s32 $0x8400  }
0x135: {  	[tilespmem:s28], [sflag:$0x1] =	stream.indirect_vreg.gather [hbm4b:s5+s3], $0x80, v4, vm0, $0xb8;
	[tilespmem:$0x1DC00] =	vst v63  }
0x136: {  	_ = 	snop  }
0x137: {  	[tilespmem:s25], [sflag:$0x1] =	stream.indirect_vreg.gather [hbm4b:s2+s3], $0x80, v3, vm0, $0xb8;
	[tilespmem:$0x1DC00] =	vst v63  }
0x138: {  	s28 =	simm.s32 $0x9400  }
0x139: {  	[tilespmem:s28], [sflag:$0x1] =	stream.indirect_vreg.gather [hbm4b:s5+s3], $0x80, v3, vm0, $0xb8;
	[tilespmem:$0x1DC00] =	vst v63  }
0x13a: {  	v3 =	vld [tilespmem:s23+$0xFFFFFF70];
	_ =	sdelay $0x4  }
0x13b: {  	v61 =	vshll.u32 v3, $0x2  }
0x13c: {  	v3 =	vand.u32 $0x7, v3;
	v4 =	vand.u32 $0xFFFFFFE0, v61  }
0x13d: {  	v3 =	vor.u32 v3, v4  }
0x13e: {  	v4 =	vperm.xlane v3, v0;
	_ =	sdelay $0x1  }
0x13f: {  	v4 =	vadd.s32 v1, v4;
	_ =	sdelay $0x1  }
0x140: {  	v3 =	vperm.xlane v3, v2;
	_ =	sdelay $0x1  }
0x141: {  	s28 =	simm.s32 $0x9C00;
	v3 =	vadd.s32 v1, v3  }
0x142: {  	[tilespmem:s28], [sflag:$0x1] =	stream.indirect_vreg.gather [hbm4b:s2+s3], $0x80, v4, vm0, $0xb8;
	[tilespmem:$0x1DC00] =	vst v63  }
0x143: {  	s28 =	simm.s32 $0xA400  }
0x144: {  	[tilespmem:s28], [sflag:$0x1] =	stream.indirect_vreg.gather [hbm4b:s5+s3], $0x80, v4, vm0, $0xb8;
	[tilespmem:$0x1DC00] =	vst v63  }
0x145: {  	s28 =	simm.s32 $0xAC00  }
0x146: {  	[tilespmem:s28], [sflag:$0x1] =	stream.indirect_vreg.gather [hbm4b:s2+s3], $0x80, v3, vm0, $0xb8;
	[tilespmem:$0x1DC00] =	vst v63  }
0x147: {  	s28 =	simm.s32 $0xB400  }
0x148: {  	[tilespmem:s28], [sflag:$0x1] =	stream.indirect_vreg.gather [hbm4b:s5+s3], $0x80, v3, vm0, $0xb8;
	[tilespmem:$0x1DC00] =	vst v63  }
0x149: {  	v3 =	vld [tilespmem:s23+$0xFFFFFF80];
	_ =	sdelay $0x4  }
0x14a: {  	v62 =	vshll.u32 v3, $0x2  }
0x14b: {  	v3 =	vand.u32 $0x7, v3;
	v4 =	vand.u32 $0xFFFFFFE0, v62  }
0x14c: {  	v3 =	vor.u32 v3, v4  }
0x14d: {  	v4 =	vperm.xlane v3, v0;
	_ =	sdelay $0x1  }
0x14e: {  	v4 =	vadd.s32 v1, v4;
	_ =	sdelay $0x1  }
0x14f: {  	v3 =	vperm.xlane v3, v2;
	_ =	sdelay $0x1  }
0x150: {  	s28 =	simm.s32 $0xBC00;
	v3 =	vadd.s32 v1, v3  }
0x151: {  	[tilespmem:s28], [sflag:$0x1] =	stream.indirect_vreg.gather [hbm4b:s2+s3], $0x80, v4, vm0, $0xb8;
	[tilespmem:$0x1DC00] =	vst v63  }
0x152: {  	s28 =	simm.s32 $0xC400  }
0x153: {  	[tilespmem:s28], [sflag:$0x1] =	stream.indirect_vreg.gather [hbm4b:s5+s3], $0x80, v4, vm0, $0xb8;
	[tilespmem:$0x1DC00] =	vst v63  }
0x154: {  	s28 =	simm.s32 $0xCC00  }
0x155: {  	[tilespmem:s28], [sflag:$0x1] =	stream.indirect_vreg.gather [hbm4b:s2+s3], $0x80, v3, vm0, $0xb8;
	[tilespmem:$0x1DC00] =	vst v63  }
0x156: {  	s28 =	simm.s32 $0xD400  }
0x157: {  	[tilespmem:s28], [sflag:$0x1] =	stream.indirect_vreg.gather [hbm4b:s5+s3], $0x80, v3, vm0, $0xb8;
	[tilespmem:$0x1DC00] =	vst v63  }
0x158: {  	v3 =	vld [tilespmem:s23+$0xFFFFFF90];
	_ =	sdelay $0x4  }
0x159: {  	v63 =	vshll.u32 v3, $0x2  }
0x15a: {  	v3 =	vand.u32 $0x7, v3;
	v4 =	vand.u32 $0xFFFFFFE0, v63  }
0x15b: {  	v3 =	vor.u32 v3, v4  }
0x15c: {  	v4 =	vperm.xlane v3, v0;
	_ =	sdelay $0x1  }
0x15d: {  	v4 =	vadd.s32 v1, v4;
	_ =	sdelay $0x1  }
0x15e: {  	v3 =	vperm.xlane v3, v2;
	_ =	sdelay $0x1  }
0x15f: {  	s28 =	simm.s32 $0xDC00;
	v3 =	vadd.s32 v1, v3  }
0x160: {  	[tilespmem:s28], [sflag:$0x1] =	stream.indirect_vreg.gather [hbm4b:s2+s3], $0x80, v4, vm0, $0xb8;
	[tilespmem:$0x1DC00] =	vst v63  }
0x161: {  	s28 =	simm.s32 $0xE400  }
0x162: {  	[tilespmem:s28], [sflag:$0x1] =	stream.indirect_vreg.gather [hbm4b:s5+s3], $0x80, v4, vm0, $0xb8;
	[tilespmem:$0x1DC00] =	vst v63  }
0x163: {  	s28 =	simm.s32 $0xEC00  }
0x164: {  	[tilespmem:s28], [sflag:$0x1] =	stream.indirect_vreg.gather [hbm4b:s2+s3], $0x80, v3, vm0, $0xb8;
	[tilespmem:$0x1DC00] =	vst v63  }
0x165: {  	s28 =	simm.s32 $0xF400  }
0x166: {  	[tilespmem:s28], [sflag:$0x1] =	stream.indirect_vreg.gather [hbm4b:s5+s3], $0x80, v3, vm0, $0xb8;
	[tilespmem:$0x1DC00] =	vst v63  }
.LBB2_4:
0x167: {  	_ =	swait.ge [sflag:s22], $0xE000  }
0x168: {  	[sflag:s22] =	ssyncset.done $0x0  }
0x169: {  	s26 =	sadd.s32 $0x1C00, s26;
	[sflag:s22] =	ssyncadd.s32 $0xFFFF2000  }
0x16a: {  	[hbm4b:s26+s3] =	stream.linear.scatter [tilespmem:s15], [sflag:$0x2], $0x7000, $0x38;
	[tilespmem:$0x1DC00] =	vst v63  }
0x16b: {  	s28 =	sadd.s32 s24, s9  }
0x16c: {  	[hbm4b:s28+s3] =	stream.linear.scatter [tilespmem:s31], [sflag:$0x2], $0x7000, $0x38;
	[tilespmem:$0x1DC00] =	vst v63  }
0x16d: {  	_ =	swait.ge [sflag:s22], $0x7000  }
.Ltmp3:
0x16e: {  	[sflag:s22] =	ssyncset.done $0x0;
	(pc) =	sbr.rel @p0 .LBB2_6-.Ltmp3, $4  }
0x16f: {  	[sflag:s22] =	ssyncadd.s32 $0xFFFF9000  }
0x170: {  	_ =	swait.ge [sflag:s22], $0x7000  }
0x171: {  	[sflag:s22] =	ssyncset.done $0x0  }
0x172: {  	[sflag:s22] =	ssyncadd.s32 $0xFFFF9000  }
0x173: {  	v3 =	vld [tilespmem:s23+$0xFFFFFFA0];
	_ =	sdelay $0x4  }
0x174: {  	v4 =	vshll.u32 v3, $0x2  }
0x175: {  	v3 =	vand.u32 $0x7, v3;
	v4 =	vand.u32 $0xFFFFFFE0, v4  }
0x176: {  	v3 =	vor.u32 v3, v4  }
0x177: {  	v4 =	vperm.xlane v3, v0;
	_ =	sdelay $0x1  }
0x178: {  	v4 =	vadd.s32 v1, v4;
	_ =	sdelay $0x1  }
0x179: {  	v3 =	vperm.xlane v3, v2;
	_ =	sdelay $0x1  }
0x17a: {  	v3 =	vadd.s32 v1, v3  }
0x17b: {  	[tilespmem:s15], [sflag:$0x2] =	stream.indirect_vreg.gather [hbm4b:s2+s3], $0x80, v4, vm0, $0xb8;
	[tilespmem:$0x1DC00] =	vst v63  }
0x17c: {  	s26 =	simm.s32 $0x10400  }
0x17d: {  	[tilespmem:s26], [sflag:$0x2] =	stream.indirect_vreg.gather [hbm4b:s5+s3], $0x80, v4, vm0, $0xb8;
	[tilespmem:$0x1DC00] =	vst v63  }
0x17e: {  	s28 =	simm.s32 $0x10C00  }
0x17f: {  	[tilespmem:s28], [sflag:$0x2] =	stream.indirect_vreg.gather [hbm4b:s2+s3], $0x80, v3, vm0, $0xb8;
	[tilespmem:$0x1DC00] =	vst v63  }
0x180: {  	s28 =	simm.s32 $0x11400  }
0x181: {  	[tilespmem:s28], [sflag:$0x2] =	stream.indirect_vreg.gather [hbm4b:s5+s3], $0x80, v3, vm0, $0xb8;
	[tilespmem:$0x1DC00] =	vst v63  }
0x182: {  	v3 =	vld [tilespmem:s23+$0xFFFFFFB0];
	_ =	sdelay $0x4  }
0x183: {  	v58 =	vshll.u32 v3, $0x2  }
0x184: {  	v3 =	vand.u32 $0x7, v3;
	v4 =	vand.u32 $0xFFFFFFE0, v58  }
0x185: {  	v3 =	vor.u32 v3, v4  }
0x186: {  	v4 =	vperm.xlane v3, v0;
	_ =	sdelay $0x1  }
0x187: {  	v4 =	vadd.s32 v1, v4;
	_ =	sdelay $0x1  }
0x188: {  	v3 =	vperm.xlane v3, v2;
	_ =	sdelay $0x1  }
0x189: {  	s28 =	simm.s32 $0x11C00;
	v3 =	vadd.s32 v1, v3  }
0x18a: {  	[tilespmem:s28], [sflag:$0x2] =	stream.indirect_vreg.gather [hbm4b:s2+s3], $0x80, v4, vm0, $0xb8;
	[tilespmem:$0x1DC00] =	vst v63  }
0x18b: {  	s28 =	simm.s32 $0x12400  }
0x18c: {  	[tilespmem:s28], [sflag:$0x2] =	stream.indirect_vreg.gather [hbm4b:s5+s3], $0x80, v4, vm0, $0xb8;
	[tilespmem:$0x1DC00] =	vst v63  }
0x18d: {  	s28 =	simm.s32 $0x12C00  }
0x18e: {  	[tilespmem:s28], [sflag:$0x2] =	stream.indirect_vreg.gather [hbm4b:s2+s3], $0x80, v3, vm0, $0xb8;
	[tilespmem:$0x1DC00] =	vst v63  }
0x18f: {  	s28 =	simm.s32 $0x13400  }
0x190: {  	[tilespmem:s28], [sflag:$0x2] =	stream.indirect_vreg.gather [hbm4b:s5+s3], $0x80, v3, vm0, $0xb8;
	[tilespmem:$0x1DC00] =	vst v63  }
0x191: {  	v3 =	vld [tilespmem:s23+$0xFFFFFFC0];
	_ =	sdelay $0x4  }
0x192: {  	v59 =	vshll.u32 v3, $0x2  }
0x193: {  	v3 =	vand.u32 $0x7, v3;
	v4 =	vand.u32 $0xFFFFFFE0, v59  }
0x194: {  	v3 =	vor.u32 v3, v4  }
0x195: {  	v4 =	vperm.xlane v3, v0;
	_ =	sdelay $0x1  }
0x196: {  	v4 =	vadd.s32 v1, v4;
	_ =	sdelay $0x1  }
0x197: {  	v3 =	vperm.xlane v3, v2;
	_ =	sdelay $0x1  }
0x198: {  	s28 =	simm.s32 $0x13C00;
	v3 =	vadd.s32 v1, v3  }
0x199: {  	[tilespmem:s28], [sflag:$0x2] =	stream.indirect_vreg.gather [hbm4b:s2+s3], $0x80, v4, vm0, $0xb8;
	[tilespmem:$0x1DC00] =	vst v63  }
0x19a: {  	s28 =	simm.s32 $0x14400  }
0x19b: {  	[tilespmem:s28], [sflag:$0x2] =	stream.indirect_vreg.gather [hbm4b:s5+s3], $0x80, v4, vm0, $0xb8;
	[tilespmem:$0x1DC00] =	vst v63  }
0x19c: {  	s28 =	simm.s32 $0x14C00  }
0x19d: {  	[tilespmem:s28], [sflag:$0x2] =	stream.indirect_vreg.gather [hbm4b:s2+s3], $0x80, v3, vm0, $0xb8;
	[tilespmem:$0x1DC00] =	vst v63  }
0x19e: {  	s28 =	simm.s32 $0x15400  }
0x19f: {  	[tilespmem:s28], [sflag:$0x2] =	stream.indirect_vreg.gather [hbm4b:s5+s3], $0x80, v3, vm0, $0xb8;
	[tilespmem:$0x1DC00] =	vst v63  }
0x1a0: {  	v3 =	vld [tilespmem:s23+$0xFFFFFFD0];
	_ =	sdelay $0x4  }
0x1a1: {  	v60 =	vshll.u32 v3, $0x2  }
0x1a2: {  	v3 =	vand.u32 $0x7, v3;
	v4 =	vand.u32 $0xFFFFFFE0, v60  }
0x1a3: {  	v3 =	vor.u32 v3, v4  }
0x1a4: {  	v4 =	vperm.xlane v3, v0;
	_ =	sdelay $0x1  }
0x1a5: {  	v4 =	vadd.s32 v1, v4;
	_ =	sdelay $0x1  }
0x1a6: {  	v3 =	vperm.xlane v3, v2;
	_ =	sdelay $0x1  }
0x1a7: {  	v3 =	vadd.s32 v1, v3  }
0x1a8: {  	[tilespmem:s29], [sflag:$0x2] =	stream.indirect_vreg.gather [hbm4b:s2+s3], $0x80, v4, vm0, $0xb8;
	[tilespmem:$0x1DC00] =	vst v63  }
0x1a9: {  	_ = 	snop  }
0x1aa: {  	[tilespmem:s30], [sflag:$0x2] =	stream.indirect_vreg.gather [hbm4b:s5+s3], $0x80, v4, vm0, $0xb8;
	[tilespmem:$0x1DC00] =	vst v63  }
0x1ab: {  	_ = 	snop  }
0x1ac: {  	[tilespmem:s31], [sflag:$0x2] =	stream.indirect_vreg.gather [hbm4b:s2+s3], $0x80, v3, vm0, $0xb8;
	[tilespmem:$0x1DC00] =	vst v63  }
0x1ad: {  	_ = 	snop  }
0x1ae: {  	[tilespmem:s1], [sflag:$0x2] =	stream.indirect_vreg.gather [hbm4b:s5+s3], $0x80, v3, vm0, $0xb8;
	[tilespmem:$0x1DC00] =	vst v63  }
0x1af: {  	v3 =	vld [tilespmem:s23+$0xFFFFFFE0];
	_ =	sdelay $0x4  }
0x1b0: {  	v61 =	vshll.u32 v3, $0x2  }
0x1b1: {  	v3 =	vand.u32 $0x7, v3;
	v4 =	vand.u32 $0xFFFFFFE0, v61  }
0x1b2: {  	v3 =	vor.u32 v3, v4  }
0x1b3: {  	v4 =	vperm.xlane v3, v0;
	_ =	sdelay $0x1  }
0x1b4: {  	v4 =	vadd.s32 v1, v4;
	_ =	sdelay $0x1  }
0x1b5: {  	v3 =	vperm.xlane v3, v2;
	_ =	sdelay $0x1  }
0x1b6: {  	v3 =	vadd.s32 v1, v3  }
0x1b7: {  	[tilespmem:s0], [sflag:$0x2] =	stream.indirect_vreg.gather [hbm4b:s2+s3], $0x80, v4, vm0, $0xb8;
	[tilespmem:$0x1DC00] =	vst v63  }
0x1b8: {  	_ = 	snop  }
0x1b9: {  	[tilespmem:s4], [sflag:$0x2] =	stream.indirect_vreg.gather [hbm4b:s5+s3], $0x80, v4, vm0, $0xb8;
	[tilespmem:$0x1DC00] =	vst v63  }
0x1ba: {  	_ = 	snop  }
0x1bb: {  	[tilespmem:s6], [sflag:$0x2] =	stream.indirect_vreg.gather [hbm4b:s2+s3], $0x80, v3, vm0, $0xb8;
	[tilespmem:$0x1DC00] =	vst v63  }
0x1bc: {  	_ = 	snop  }
0x1bd: {  	[tilespmem:s10], [sflag:$0x2] =	stream.indirect_vreg.gather [hbm4b:s5+s3], $0x80, v3, vm0, $0xb8;
	[tilespmem:$0x1DC00] =	vst v63  }
0x1be: {  	v3 =	vld [tilespmem:s23+$0xFFFFFFF0];
	_ =	sdelay $0x4  }
0x1bf: {  	v62 =	vshll.u32 v3, $0x2  }
0x1c0: {  	v3 =	vand.u32 $0x7, v3;
	v4 =	vand.u32 $0xFFFFFFE0, v62  }
0x1c1: {  	v3 =	vor.u32 v3, v4  }
0x1c2: {  	v4 =	vperm.xlane v3, v0;
	_ =	sdelay $0x1  }
0x1c3: {  	v4 =	vadd.s32 v1, v4;
	_ =	sdelay $0x1  }
0x1c4: {  	v3 =	vperm.xlane v3, v2;
	_ =	sdelay $0x1  }
0x1c5: {  	v3 =	vadd.s32 v1, v3  }
0x1c6: {  	[tilespmem:s12], [sflag:$0x2] =	stream.indirect_vreg.gather [hbm4b:s2+s3], $0x80, v4, vm0, $0xb8;
	[tilespmem:$0x1DC00] =	vst v63  }
0x1c7: {  	_ = 	snop  }
0x1c8: {  	[tilespmem:s13], [sflag:$0x2] =	stream.indirect_vreg.gather [hbm4b:s5+s3], $0x80, v4, vm0, $0xb8;
	[tilespmem:$0x1DC00] =	vst v63  }
0x1c9: {  	_ = 	snop  }
0x1ca: {  	[tilespmem:s14], [sflag:$0x2] =	stream.indirect_vreg.gather [hbm4b:s2+s3], $0x80, v3, vm0, $0xb8;
	[tilespmem:$0x1DC00] =	vst v63  }
0x1cb: {  	_ = 	snop  }
0x1cc: {  	[tilespmem:s16], [sflag:$0x2] =	stream.indirect_vreg.gather [hbm4b:s5+s3], $0x80, v3, vm0, $0xb8;
	[tilespmem:$0x1DC00] =	vst v63  }
0x1cd: {  	v3 =	vld [tilespmem:s23+$0x0];
	_ =	sdelay $0x4  }
0x1ce: {  	v63 =	vshll.u32 v3, $0x2  }
0x1cf: {  	v3 =	vand.u32 $0x7, v3;
	v4 =	vand.u32 $0xFFFFFFE0, v63  }
0x1d0: {  	v3 =	vor.u32 v3, v4  }
0x1d1: {  	v4 =	vperm.xlane v3, v0;
	_ =	sdelay $0x1  }
0x1d2: {  	v4 =	vadd.s32 v1, v4;
	_ =	sdelay $0x2  }
0x1d3: {  	v3 =	vperm.xlane v3, v2;
	_ =	sdelay $0x1  }
0x1d4: {  	v3 =	vadd.s32 v1, v3;
	[tilespmem:s17], [sflag:$0x2] =	stream.indirect_vreg.gather [hbm4b:s2+s3], $0x80, v4, vm0, $0xb8;
	[tilespmem:$0x1DC00] =	vst v63  }
0x1d5: {  	_ = 	snop  }
0x1d6: {  	[tilespmem:s18], [sflag:$0x2] =	stream.indirect_vreg.gather [hbm4b:s5+s3], $0x80, v4, vm0, $0xb8;
	[tilespmem:$0x1DC00] =	vst v63  }
.Ltmp4:
0x1d7: {  	_ = 	snop;
	(pc) =	sbr.rel .LBB2_2-.Ltmp4, $4  }
0x1d8: {  	_ = 	snop  }
0x1d9: {  	[tilespmem:s19], [sflag:$0x2] =	stream.indirect_vreg.gather [hbm4b:s2+s3], $0x80, v3, vm0, $0xb8;
	[tilespmem:$0x1DC00] =	vst v63  }
0x1da: {  	s24 =	sadd.s32 $0x3800, s24;
	s23 =	sadd.s32 $0xE0, s23  }
0x1db: {  	[tilespmem:s20], [sflag:$0x2] =	stream.indirect_vreg.gather [hbm4b:s5+s3], $0x80, v3, vm0, $0xb8;
	[tilespmem:$0x1DC00] =	vst v63  }
.LBB2_7:
0x1dc: {  	_ =	sfence.sel $0x180000  }
0x1dd: {  	[bflag:$0x0] =	sbarrier.arrive $0xFFFF  }
0x1de: {  	_ =	strace $0x90000047  }
0x1df: {  	s0 =	stileid.u32;
	[bflag:$0x2] =	sbarrier.arrive $0xFFFF  }
0x1e0: {  	p0 =	sne.s32 s0, $0x0;
	s0 =	rddreg [dreg:$0x3]  }
0x1e1: {  	s0 =	sadd.s32 @!p0 $0x100000, s0  }
0x1e2: {  	[sflag:s0] =	ssyncadd.tile.s32 @!p0 $0x1;
	_ =	shalt  }
.Lfunc_end2:
_tile_overlayer_lowered:
.L_overlay_start_2:
0x1e3: {  	(tag) =	ssettag $0x2  }
0x1e4: {  	s0 =	rddreg [dreg:$0x0];
	s2 =	stileid.u32  }
0x1e5: {  	s1 =	rddreg [dreg:$0x1];
	p0 =	sne.s32 s2, $0x0  }
0x1e6: {  	s3 =	rddreg [dreg:$0x2];
	[bflag:$0x3] =	sbarrier.arrive $0xFFFF;
	s2 =	simm.s32 @!p0 $0x1C03  }
0x1e7: {  	[timem:s3], [sflag:s2] =	dma.local @!p0 [hbm:s0], s1  }
0x1e8: {  	s0 =	simm.s32 @!p0 $0x3  }
0x1e9: {  	_ =	swait.ge @!p0 [sflag:s0], s1  }
0x1ea: {  	s1 =	ssub.s32 @!p0 $0x0, s1;
	[sflag:s0] =	ssyncset.done @!p0 $0x0  }
0x1eb: {  	[sflag:s0] =	ssyncadd.s32 @!p0 s1  }
0x1ec: {  	[bflag:$0x3] =	sbarrier.arrive $0xFFFF  }
0x1ed: {  	_ =	shalt  }

</sc_bundles>
